<compile_context>
chip_gen: v7x
topology: tpu7x:2x2x1
jax: 0.10.2.dev20260603
libtpu: 0.0.44.dev20260713+nightly
codegen_flags: <defaults>
</compile_context>

<pallas_src>
import functools

import jax
import jax.numpy as jnp
from jax import lax
from jax.experimental import pallas as pl
from jax.experimental.pallas import tpu as pltpu
from jax.experimental.pallas import tpu_sc as plsc

NC = 2
NS = 16
NW = NC * NS
BATCH = 4096
HIST = 50
EMBED = 64
VOCAB = 100000
EPW = EMBED // NW
LANES = 16

_mesh = plsc.VectorSubcoreMesh(
    core_axis_name="c", subcore_axis_name="s", num_cores=NC, num_subcores=NS
)


@functools.partial(
    pl.kernel,
    out_type=jax.ShapeDtypeStruct((HIST, EMBED, BATCH), jnp.float32),
    mesh=_mesh,
    scratch_types=[
        pltpu.VMEM((VOCAB,), jnp.float32),
        pltpu.VMEM((BATCH,), jnp.int32),
        pltpu.VMEM((BATCH,), jnp.int32),
        pltpu.VMEM((BATCH,), jnp.float32),
        pltpu.VMEM((BATCH,), jnp.float32),
        pltpu.SemaphoreType.DMA,
        pltpu.SemaphoreType.DMA,
        pltpu.SemaphoreType.DMA,
        pltpu.SemaphoreType.DMA,
    ],
    compiler_params=pltpu.CompilerParams(needs_layout_passes=False),
)
def _embed_lookup(idx_hbm, table_hbm, out_hbm, telem, i0, i1, o0, o1, si0, si1, so0, so1):
    idx_b = (i0, i1)
    out_b = (o0, o1)
    isem = (si0, si1)
    osem = (so0, so1)
    wid = lax.axis_index("s") * NC + lax.axis_index("c")
    e0 = wid * EPW

    def fire_idx(h, p):
        pltpu.async_copy(idx_hbm.at[h], idx_b[p], isem[p])

    def wait_idx(h, p):
        pltpu.make_async_copy(idx_hbm.at[h], idx_b[p], isem[p]).wait()

    def wait_store(h, e, p):
        pltpu.make_async_copy(out_b[p], out_hbm.at[h, e], osem[p]).wait()

    for ei in range(EPW):
        e = e0 + ei
        pltpu.sync_copy(table_hbm.at[e], telem)
        fire_idx(0, 0)
        fire_idx(1, 1)

        @pl.loop(0, HIST, step=2)
        def _h_loop(h0):
            for p in range(2):
                h = h0 + p
                wait_idx(h, p)

                @pl.when(h + 2 < HIST)
                def _():
                    fire_idx(h + 2, p)

                @pl.when(h >= 2)
                def _():
                    wait_store(h - 2, e, p)

                @plsc.parallel_loop(0, BATCH // LANES, unroll=8)
                def _i_loop(i):
                    iv = idx_b[p][pl.ds(i * LANES, LANES)]
                    out_b[p][pl.ds(i * LANES, LANES)] = plsc.load_gather(
                        telem, [iv]
                    )

                pltpu.async_copy(out_b[p], out_hbm.at[h, e], osem[p])

        for p in range(2):
            wait_store(HIST - 2 + p, e, p)


def kernel(input, weight):
    out_t = _embed_lookup(input.T, weight.T)
    return jnp.transpose(out_t, (2, 0, 1))

# --- scband reference (transcript-rebuilt; emitter-appended) ---
"""Pipeline reference for scband-embedding-69114613730437 (READ-ONLY COPY).

The authoritative reference and input builder live on the scoring server;
editing this copy changes nothing except your own understanding.
"""

import jax, jax.numpy as jnp
import numpy as np

VOCAB = 100000
EMBED = 64
BATCH = 4096
HIST = 50
PADDING_IDX = 0


def setup_inputs(seed: int = 0) -> dict:
    key = jax.random.key(seed)
    k_idx, k_w = jax.random.split(key)
    # indices in [0, vocab)
    indices = jax.random.randint(k_idx, (BATCH, HIST), 0, VOCAB)
    # embedding table ~ N(0,1) like nn.Embedding default init, with padding row zeroed
    weight = jax.random.normal(k_w, (VOCAB, EMBED), dtype=jnp.float32)
    weight = weight.at[PADDING_IDX].set(0.0)
    return {"input": indices, "weight": weight}


def reference(input, weight):
    # nn.Embedding forward: gather rows of the table by index
    return jnp.take(weight, input, axis=0)

if __name__ == "__main__":
    import jax
    _d = setup_inputs()
    print(jax.jit(kernel)(*tuple(_d.values())))

</pallas_src>

<mosaic_0001>
#map = affine_map<(d0, d1) -> (0, 0)>
#map1 = affine_map<(d0, d1) -> (0, 0, 0)>
module attributes {stable_mosaic.version = 14 : i64} {
  func.func @_embed_lookup(%arg0: i32, %arg1: i32, %arg2: memref<50x4096xi32, #tpu.memory_space<hbm>>, %arg3: memref<64x100000xf32, #tpu.memory_space<hbm>>, %arg4: memref<50x64x4096xf32, #tpu.memory_space<hbm>>, %arg5: memref<100000xf32, #tpu.memory_space<vmem>>, %arg6: memref<4096xi32, #tpu.memory_space<vmem>>, %arg7: memref<4096xi32, #tpu.memory_space<vmem>>, %arg8: memref<4096xf32, #tpu.memory_space<vmem>>, %arg9: memref<4096xf32, #tpu.memory_space<vmem>>, %arg10: memref<!tpu.dma_semaphore, #tpu.memory_space<semaphore_mem>>, %arg11: memref<!tpu.dma_semaphore, #tpu.memory_space<semaphore_mem>>, %arg12: memref<!tpu.dma_semaphore, #tpu.memory_space<semaphore_mem>>, %arg13: memref<!tpu.dma_semaphore, #tpu.memory_space<semaphore_mem>>) attributes {dimension_semantics = [#tpu.dimension_semantics<core_parallel>, #tpu.dimension_semantics<subcore_parallel>], iteration_bounds = array<i64: 2, 16>, scalar_prefetch = 0 : i64, scratch_operands = 9 : i64, tpu.core_type = #tpu.core_type<sc_vector_subcore>, window_params = [{transform_indices = #map}, {transform_indices = #map}, {transform_indices = #map1}]} {
    %mul3A = arith.constant 2 : i32
    %mul3A_0 = arith.muli %arg1, %mul3A : i32
    %add3A = arith.addi %mul3A_0, %arg0 : i32
    %mul3A_1 = arith.constant 2 : i32
    %mul3A_2 = arith.muli %add3A, %mul3A_1 : i32
    %add3A_3 = arith.constant 0 : i32
    %add3A_4 = arith.addi %mul3A_2, %add3A_3 : i32
    "tpu.region"() ({
      %run_scoped3A = tpu.sem_alloc : memref<!tpu.dma_semaphore, #tpu.memory_space<semaphore_mem>>
      %dma_start3A_70 = arith.constant 0 : i32
      %dma_start3A_71 = tpu.memref_slice %arg3[%add3A_4, %dma_start3A_70] : memref<64x100000xf32, #tpu.memory_space<hbm>> -> memref<1x100000xf32, #tpu.memory_space<hbm>>
      %dma_start3A_72 = tpu.memref_squeeze %dma_start3A_71 : memref<1x100000xf32, #tpu.memory_space<hbm>> -> memref<100000xf32, #tpu.memory_space<hbm>>
      %dma_start3A_73 = arith.constant 0 : i32
      %dma_start3A_74 = tpu.memref_slice %arg3[%add3A_4, %dma_start3A_73] : memref<64x100000xf32, #tpu.memory_space<hbm>> -> memref<1x100000xf32, #tpu.memory_space<hbm>>
      %dma_start3A_75 = tpu.memref_squeeze %dma_start3A_74 : memref<1x100000xf32, #tpu.memory_space<hbm>> -> memref<100000xf32, #tpu.memory_space<hbm>>
      tpu.enqueue_dma source(%dma_start3A_75 : memref<100000xf32, #tpu.memory_space<hbm>>) target(%arg5 : memref<100000xf32, #tpu.memory_space<vmem>>) target_semaphore(%run_scoped3A : memref<!tpu.dma_semaphore, #tpu.memory_space<semaphore_mem>>)
      %dma_wait3A_76 = arith.constant 0 : i32
      %dma_wait3A_77 = tpu.memref_slice %arg3[%add3A_4, %dma_wait3A_76] : memref<64x100000xf32, #tpu.memory_space<hbm>> -> memref<1x100000xf32, #tpu.memory_space<hbm>>
      %dma_wait3A_78 = tpu.memref_squeeze %dma_wait3A_77 : memref<1x100000xf32, #tpu.memory_space<hbm>> -> memref<100000xf32, #tpu.memory_space<hbm>>
      %dma_wait3A_79 = arith.constant 0 : i32
      %dma_wait3A_80 = tpu.memref_slice %arg3[%add3A_4, %dma_wait3A_79] : memref<64x100000xf32, #tpu.memory_space<hbm>> -> memref<1x100000xf32, #tpu.memory_space<hbm>>
      %dma_wait3A_81 = tpu.memref_squeeze %dma_wait3A_80 : memref<1x100000xf32, #tpu.memory_space<hbm>> -> memref<100000xf32, #tpu.memory_space<hbm>>
      tpu.wait_dma2 semaphore(%run_scoped3A : memref<!tpu.dma_semaphore, #tpu.memory_space<semaphore_mem>>) src(%dma_wait3A_81 : memref<100000xf32, #tpu.memory_space<hbm>>) dst(%arg5 : memref<100000xf32, #tpu.memory_space<vmem>>)
      tpu.yield
    }) : () -> ()
    %dma_start3A = arith.constant 0 : i32
    %dma_start3A_5 = arith.constant 0 : i32
    %dma_start3A_6 = tpu.memref_slice %arg2[%dma_start3A, %dma_start3A_5] : memref<50x4096xi32, #tpu.memory_space<hbm>> -> memref<1x4096xi32, #tpu.memory_space<hbm>>
    %dma_start3A_7 = tpu.memref_squeeze %dma_start3A_6 : memref<1x4096xi32, #tpu.memory_space<hbm>> -> memref<4096xi32, #tpu.memory_space<hbm>>
    %dma_start3A_8 = arith.constant 0 : i32
    %dma_start3A_9 = tpu.memref_slice %arg2[%dma_start3A, %dma_start3A_8] : memref<50x4096xi32, #tpu.memory_space<hbm>> -> memref<1x4096xi32, #tpu.memory_space<hbm>>
    %dma_start3A_10 = tpu.memref_squeeze %dma_start3A_9 : memref<1x4096xi32, #tpu.memory_space<hbm>> -> memref<4096xi32, #tpu.memory_space<hbm>>
    tpu.enqueue_dma source(%dma_start3A_10 : memref<4096xi32, #tpu.memory_space<hbm>>) target(%arg6 : memref<4096xi32, #tpu.memory_space<vmem>>) target_semaphore(%arg10 : memref<!tpu.dma_semaphore, #tpu.memory_space<semaphore_mem>>)
    %dma_start3A_11 = arith.constant 1 : i32
    %dma_start3A_12 = arith.constant 0 : i32
    %dma_start3A_13 = tpu.memref_slice %arg2[%dma_start3A_11, %dma_start3A_12] : memref<50x4096xi32, #tpu.memory_space<hbm>> -> memref<1x4096xi32, #tpu.memory_space<hbm>>
    %dma_start3A_14 = tpu.memref_squeeze %dma_start3A_13 : memref<1x4096xi32, #tpu.memory_space<hbm>> -> memref<4096xi32, #tpu.memory_space<hbm>>
    %dma_start3A_15 = arith.constant 0 : i32
    %dma_start3A_16 = tpu.memref_slice %arg2[%dma_start3A_11, %dma_start3A_15] : memref<50x4096xi32, #tpu.memory_space<hbm>> -> memref<1x4096xi32, #tpu.memory_space<hbm>>
    %dma_start3A_17 = tpu.memref_squeeze %dma_start3A_16 : memref<1x4096xi32, #tpu.memory_space<hbm>> -> memref<4096xi32, #tpu.memory_space<hbm>>
    tpu.enqueue_dma source(%dma_start3A_17 : memref<4096xi32, #tpu.memory_space<hbm>>) target(%arg7 : memref<4096xi32, #tpu.memory_space<vmem>>) target_semaphore(%arg11 : memref<!tpu.dma_semaphore, #tpu.memory_space<semaphore_mem>>)
    %scan3A = arith.constant 0 : i32
    %scan3A_18 = arith.constant 25 : i32
    %scan3A_19 = arith.addi %scan3A, %scan3A_18 : i32
    %scan3A_20 = arith.constant 1 : i32
    scf.for %scan3A_70 = %scan3A to %scan3A_19 step %scan3A_20  : i32 {
      %mul3A_71 = arith.constant 2 : i32
      %mul3A_72 = arith.muli %scan3A_70, %mul3A_71 : i32
      %add3A_73 = arith.constant 0 : i32
      %add3A_74 = arith.addi %add3A_73, %mul3A_72 : i32
      %add3A_75 = arith.constant 0 : i32
      %add3A_76 = arith.addi %add3A_74, %add3A_75 : i32
      %dma_wait3A_77 = arith.constant 0 : i32
      %dma_wait3A_78 = tpu.memref_slice %arg2[%add3A_76, %dma_wait3A_77] : memref<50x4096xi32, #tpu.memory_space<hbm>> -> memref<1x4096xi32, #tpu.memory_space<hbm>>
      %dma_wait3A_79 = tpu.memref_squeeze %dma_wait3A_78 : memref<1x4096xi32, #tpu.memory_space<hbm>> -> memref<4096xi32, #tpu.memory_space<hbm>>
      %dma_wait3A_80 = arith.constant 0 : i32
      %dma_wait3A_81 = tpu.memref_slice %arg2[%add3A_76, %dma_wait3A_80] : memref<50x4096xi32, #tpu.memory_space<hbm>> -> memref<1x4096xi32, #tpu.memory_space<hbm>>
      %dma_wait3A_82 = tpu.memref_squeeze %dma_wait3A_81 : memref<1x4096xi32, #tpu.memory_space<hbm>> -> memref<4096xi32, #tpu.memory_space<hbm>>
      tpu.wait_dma2 semaphore(%arg10 : memref<!tpu.dma_semaphore, #tpu.memory_space<semaphore_mem>>) src(%dma_wait3A_82 : memref<4096xi32, #tpu.memory_space<hbm>>) dst(%arg6 : memref<4096xi32, #tpu.memory_space<vmem>>)
      %add3A_83 = arith.constant 2 : i32
      %add3A_84 = arith.addi %add3A_76, %add3A_83 : i32
      %lt3A = arith.constant 50 : i32
      %lt3A_85 = arith.cmpi slt, %add3A_84, %lt3A : i32
      %convert_element_type3A = arith.extui %lt3A_85 : i1 to i32
      %cond3A = arith.constant 0 : i32
      %cond3A_86 = arith.cmpi ne, %convert_element_type3A, %cond3A : i32
      scf.if %cond3A_86 {
        %add3A_128 = arith.constant 2 : i32
        %add3A_129 = arith.addi %add3A_76, %add3A_128 : i32
        %dma_start3A_130 = arith.constant 0 : i32
        %dma_start3A_131 = tpu.memref_slice %arg2[%add3A_129, %dma_start3A_130] : memref<50x4096xi32, #tpu.memory_space<hbm>> -> memref<1x4096xi32, #tpu.memory_space<hbm>>
        %dma_start3A_132 = tpu.memref_squeeze %dma_start3A_131 : memref<1x4096xi32, #tpu.memory_space<hbm>> -> memref<4096xi32, #tpu.memory_space<hbm>>
        %dma_start3A_133 = arith.constant 0 : i32
        %dma_start3A_134 = tpu.memref_slice %arg2[%add3A_129, %dma_start3A_133] : memref<50x4096xi32, #tpu.memory_space<hbm>> -> memref<1x4096xi32, #tpu.memory_space<hbm>>
        %dma_start3A_135 = tpu.memref_squeeze %dma_start3A_134 : memref<1x4096xi32, #tpu.memory_space<hbm>> -> memref<4096xi32, #tpu.memory_space<hbm>>
        tpu.enqueue_dma source(%dma_start3A_135 : memref<4096xi32, #tpu.memory_space<hbm>>) target(%arg6 : memref<4096xi32, #tpu.memory_space<vmem>>) target_semaphore(%arg10 : memref<!tpu.dma_semaphore, #tpu.memory_space<semaphore_mem>>)
      } else {
      }
      %ge3A = arith.constant 2 : i32
      %ge3A_87 = arith.cmpi sge, %add3A_76, %ge3A : i32
      %convert_element_type3A_88 = arith.extui %ge3A_87 : i1 to i32
      %cond3A_89 = arith.constant 0 : i32
      %cond3A_90 = arith.cmpi ne, %convert_element_type3A_88, %cond3A_89 : i32
      scf.if %cond3A_90 {
        %sub3A = arith.constant 2 : i32
        %sub3A_128 = arith.subi %add3A_76, %sub3A : i32
        %dma_wait3A_129 = arith.constant 0 : i32
        %dma_wait3A_130 = tpu.memref_slice %arg4[%sub3A_128, %add3A_4, %dma_wait3A_129] : memref<50x64x4096xf32, #tpu.memory_space<hbm>> -> memref<1x1x4096xf32, #tpu.memory_space<hbm>>
        %dma_wait3A_131 = tpu.memref_squeeze %dma_wait3A_130 : memref<1x1x4096xf32, #tpu.memory_space<hbm>> -> memref<4096xf32, #tpu.memory_space<hbm>>
        %dma_wait3A_132 = arith.constant 0 : i32
        %dma_wait3A_133 = tpu.memref_slice %arg4[%sub3A_128, %add3A_4, %dma_wait3A_132] : memref<50x64x4096xf32, #tpu.memory_space<hbm>> -> memref<1x1x4096xf32, #tpu.memory_space<hbm>>
        %dma_wait3A_134 = tpu.memref_squeeze %dma_wait3A_133 : memref<1x1x4096xf32, #tpu.memory_space<hbm>> -> memref<4096xf32, #tpu.memory_space<hbm>>
        tpu.wait_dma2 semaphore(%arg12 : memref<!tpu.dma_semaphore, #tpu.memory_space<semaphore_mem>>) src(%arg8 : memref<4096xf32, #tpu.memory_space<vmem>>) dst(%dma_wait3A_134 : memref<4096xf32, #tpu.memory_space<hbm>>)
      } else {
      }
      %parallel_loop3A = arith.constant 0 : i32
      %parallel_loop3A_91 = arith.constant 256 : i32
      %parallel_loop3A_92 = arith.constant 1 : i32
      scf.for %parallel_loop3A_128 = %parallel_loop3A to %parallel_loop3A_91 step %parallel_loop3A_92  : i32 {
        %parallel_loop3A_129 = arith.constant 16 : i32
        %parallel_loop3A_130 = arith.muli %parallel_loop3A_128, %parallel_loop3A_129 : i32
        %parallel_loop3A_131 = arith.index_cast %parallel_loop3A_130 : i32 to index
        %parallel_loop3A_132 = tpu.vector_load %arg6[%parallel_loop3A_131] {strides = array<i32>} : memref<4096xi32, #tpu.memory_space<vmem>>, vector<16xi32>,
        %parallel_loop3A_133 = tpu.vector_load_idx %arg5[%parallel_loop3A_132] : memref<100000xf32, #tpu.memory_space<vmem>>[vector<16xi32>], vector<16xf32>,
        %parallel_loop3A_134 = arith.constant 16 : i32
        %parallel_loop3A_135 = arith.muli %parallel_loop3A_128, %parallel_loop3A_134 : i32
        %parallel_loop3A_136 = arith.index_cast %parallel_loop3A_135 : i32 to index
        %parallel_loop3A_137 = tpu.vector_load %arg8[%parallel_loop3A_136] {strides = array<i32>} : memref<4096xf32, #tpu.memory_space<vmem>>, vector<16xf32>,
        tpu.vector_store %arg8[%parallel_loop3A_136], %parallel_loop3A_133 {strides = array<i32>} : memref<4096xf32, #tpu.memory_space<vmem>>, vector<16xf32>,
      } {sc.loop_unroll_factor = 8 : i64, sc.parallel_access}
      %dma_start3A_93 = arith.constant 0 : i32
      %dma_start3A_94 = tpu.memref_slice %arg4[%add3A_76, %add3A_4, %dma_start3A_93] : memref<50x64x4096xf32, #tpu.memory_space<hbm>> -> memref<1x1x4096xf32, #tpu.memory_space<hbm>>
      %dma_start3A_95 = tpu.memref_squeeze %dma_start3A_94 : memref<1x1x4096xf32, #tpu.memory_space<hbm>> -> memref<4096xf32, #tpu.memory_space<hbm>>
      %dma_start3A_96 = arith.constant 0 : i32
      %dma_start3A_97 = tpu.memref_slice %arg4[%add3A_76, %add3A_4, %dma_start3A_96] : memref<50x64x4096xf32, #tpu.memory_space<hbm>> -> memref<1x1x4096xf32, #tpu.memory_space<hbm>>
      %dma_start3A_98 = tpu.memref_squeeze %dma_start3A_97 : memref<1x1x4096xf32, #tpu.memory_space<hbm>> -> memref<4096xf32, #tpu.memory_space<hbm>>
      tpu.enqueue_dma source(%arg8 : memref<4096xf32, #tpu.memory_space<vmem>>) target(%dma_start3A_98 : memref<4096xf32, #tpu.memory_space<hbm>>) target_semaphore(%arg12 : memref<!tpu.dma_semaphore, #tpu.memory_space<semaphore_mem>>)
      %add3A_99 = arith.constant 1 : i32
      %add3A_100 = arith.addi %add3A_74, %add3A_99 : i32
      %dma_wait3A_101 = arith.constant 0 : i32
      %dma_wait3A_102 = tpu.memref_slice %arg2[%add3A_100, %dma_wait3A_101] : memref<50x4096xi32, #tpu.memory_space<hbm>> -> memref<1x4096xi32, #tpu.memory_space<hbm>>
      %dma_wait3A_103 = tpu.memref_squeeze %dma_wait3A_102 : memref<1x4096xi32, #tpu.memory_space<hbm>> -> memref<4096xi32, #tpu.memory_space<hbm>>
      %dma_wait3A_104 = arith.constant 0 : i32
      %dma_wait3A_105 = tpu.memref_slice %arg2[%add3A_100, %dma_wait3A_104] : memref<50x4096xi32, #tpu.memory_space<hbm>> -> memref<1x4096xi32, #tpu.memory_space<hbm>>
      %dma_wait3A_106 = tpu.memref_squeeze %dma_wait3A_105 : memref<1x4096xi32, #tpu.memory_space<hbm>> -> memref<4096xi32, #tpu.memory_space<hbm>>
      tpu.wait_dma2 semaphore(%arg11 : memref<!tpu.dma_semaphore, #tpu.memory_space<semaphore_mem>>) src(%dma_wait3A_106 : memref<4096xi32, #tpu.memory_space<hbm>>) dst(%arg7 : memref<4096xi32, #tpu.memory_space<vmem>>)
      %add3A_107 = arith.constant 2 : i32
      %add3A_108 = arith.addi %add3A_100, %add3A_107 : i32
      %lt3A_109 = arith.constant 50 : i32
      %lt3A_110 = arith.cmpi slt, %add3A_108, %lt3A_109 : i32
      %convert_element_type3A_111 = arith.extui %lt3A_110 : i1 to i32
      %cond3A_112 = arith.constant 0 : i32
      %cond3A_113 = arith.cmpi ne, %convert_element_type3A_111, %cond3A_112 : i32
      scf.if %cond3A_113 {
        %add3A_128 = arith.constant 2 : i32
        %add3A_129 = arith.addi %add3A_100, %add3A_128 : i32
        %dma_start3A_130 = arith.constant 0 : i32
        %dma_start3A_131 = tpu.memref_slice %arg2[%add3A_129, %dma_start3A_130] : memref<50x4096xi32, #tpu.memory_space<hbm>> -> memref<1x4096xi32, #tpu.memory_space<hbm>>
        %dma_start3A_132 = tpu.memref_squeeze %dma_start3A_131 : memref<1x4096xi32, #tpu.memory_space<hbm>> -> memref<4096xi32, #tpu.memory_space<hbm>>
        %dma_start3A_133 = arith.constant 0 : i32
        %dma_start3A_134 = tpu.memref_slice %arg2[%add3A_129, %dma_start3A_133] : memref<50x4096xi32, #tpu.memory_space<hbm>> -> memref<1x4096xi32, #tpu.memory_space<hbm>>
        %dma_start3A_135 = tpu.memref_squeeze %dma_start3A_134 : memref<1x4096xi32, #tpu.memory_space<hbm>> -> memref<4096xi32, #tpu.memory_space<hbm>>
        tpu.enqueue_dma source(%dma_start3A_135 : memref<4096xi32, #tpu.memory_space<hbm>>) target(%arg7 : memref<4096xi32, #tpu.memory_space<vmem>>) target_semaphore(%arg11 : memref<!tpu.dma_semaphore, #tpu.memory_space<semaphore_mem>>)
      } else {
      }
      %ge3A_114 = arith.constant 2 : i32
      %ge3A_115 = arith.cmpi sge, %add3A_100, %ge3A_114 : i32
      %convert_element_type3A_116 = arith.extui %ge3A_115 : i1 to i32
      %cond3A_117 = arith.constant 0 : i32
      %cond3A_118 = arith.cmpi ne, %convert_element_type3A_116, %cond3A_117 : i32
      scf.if %cond3A_118 {
        %sub3A = arith.constant 2 : i32
        %sub3A_128 = arith.subi %add3A_100, %sub3A : i32
        %dma_wait3A_129 = arith.constant 0 : i32
        %dma_wait3A_130 = tpu.memref_slice %arg4[%sub3A_128, %add3A_4, %dma_wait3A_129] : memref<50x64x4096xf32, #tpu.memory_space<hbm>> -> memref<1x1x4096xf32, #tpu.memory_space<hbm>>
        %dma_wait3A_131 = tpu.memref_squeeze %dma_wait3A_130 : memref<1x1x4096xf32, #tpu.memory_space<hbm>> -> memref<4096xf32, #tpu.memory_space<hbm>>
        %dma_wait3A_132 = arith.constant 0 : i32
        %dma_wait3A_133 = tpu.memref_slice %arg4[%sub3A_128, %add3A_4, %dma_wait3A_132] : memref<50x64x4096xf32, #tpu.memory_space<hbm>> -> memref<1x1x4096xf32, #tpu.memory_space<hbm>>
        %dma_wait3A_134 = tpu.memref_squeeze %dma_wait3A_133 : memref<1x1x4096xf32, #tpu.memory_space<hbm>> -> memref<4096xf32, #tpu.memory_space<hbm>>
        tpu.wait_dma2 semaphore(%arg13 : memref<!tpu.dma_semaphore, #tpu.memory_space<semaphore_mem>>) src(%arg9 : memref<4096xf32, #tpu.memory_space<vmem>>) dst(%dma_wait3A_134 : memref<4096xf32, #tpu.memory_space<hbm>>)
      } else {
      }
      %parallel_loop3A_119 = arith.constant 0 : i32
      %parallel_loop3A_120 = arith.constant 256 : i32
      %parallel_loop3A_121 = arith.constant 1 : i32
      scf.for %parallel_loop3A_128 = %parallel_loop3A_119 to %parallel_loop3A_120 step %parallel_loop3A_121  : i32 {
        %parallel_loop3A_129 = arith.constant 16 : i32
        %parallel_loop3A_130 = arith.muli %parallel_loop3A_128, %parallel_loop3A_129 : i32
        %parallel_loop3A_131 = arith.index_cast %parallel_loop3A_130 : i32 to index
        %parallel_loop3A_132 = tpu.vector_load %arg7[%parallel_loop3A_131] {strides = array<i32>} : memref<4096xi32, #tpu.memory_space<vmem>>, vector<16xi32>,
        %parallel_loop3A_133 = tpu.vector_load_idx %arg5[%parallel_loop3A_132] : memref<100000xf32, #tpu.memory_space<vmem>>[vector<16xi32>], vector<16xf32>,
        %parallel_loop3A_134 = arith.constant 16 : i32
        %parallel_loop3A_135 = arith.muli %parallel_loop3A_128, %parallel_loop3A_134 : i32
        %parallel_loop3A_136 = arith.index_cast %parallel_loop3A_135 : i32 to index
        %parallel_loop3A_137 = tpu.vector_load %arg9[%parallel_loop3A_136] {strides = array<i32>} : memref<4096xf32, #tpu.memory_space<vmem>>, vector<16xf32>,
        tpu.vector_store %arg9[%parallel_loop3A_136], %parallel_loop3A_133 {strides = array<i32>} : memref<4096xf32, #tpu.memory_space<vmem>>, vector<16xf32>,
      } {sc.loop_unroll_factor = 8 : i64, sc.parallel_access}
      %dma_start3A_122 = arith.constant 0 : i32
      %dma_start3A_123 = tpu.memref_slice %arg4[%add3A_100, %add3A_4, %dma_start3A_122] : memref<50x64x4096xf32, #tpu.memory_space<hbm>> -> memref<1x1x4096xf32, #tpu.memory_space<hbm>>
      %dma_start3A_124 = tpu.memref_squeeze %dma_start3A_123 : memref<1x1x4096xf32, #tpu.memory_space<hbm>> -> memref<4096xf32, #tpu.memory_space<hbm>>
      %dma_start3A_125 = arith.constant 0 : i32
      %dma_start3A_126 = tpu.memref_slice %arg4[%add3A_100, %add3A_4, %dma_start3A_125] : memref<50x64x4096xf32, #tpu.memory_space<hbm>> -> memref<1x1x4096xf32, #tpu.memory_space<hbm>>
      %dma_start3A_127 = tpu.memref_squeeze %dma_start3A_126 : memref<1x1x4096xf32, #tpu.memory_space<hbm>> -> memref<4096xf32, #tpu.memory_space<hbm>>
      tpu.enqueue_dma source(%arg9 : memref<4096xf32, #tpu.memory_space<vmem>>) target(%dma_start3A_127 : memref<4096xf32, #tpu.memory_space<hbm>>) target_semaphore(%arg13 : memref<!tpu.dma_semaphore, #tpu.memory_space<semaphore_mem>>)
    }
    %scan3A_21 = arith.constant 25 : i32
    %dma_wait3A = arith.constant 48 : i32
    %dma_wait3A_22 = arith.constant 0 : i32
    %dma_wait3A_23 = tpu.memref_slice %arg4[%dma_wait3A, %add3A_4, %dma_wait3A_22] : memref<50x64x4096xf32, #tpu.memory_space<hbm>> -> memref<1x1x4096xf32, #tpu.memory_space<hbm>>
    %dma_wait3A_24 = tpu.memref_squeeze %dma_wait3A_23 : memref<1x1x4096xf32, #tpu.memory_space<hbm>> -> memref<4096xf32, #tpu.memory_space<hbm>>
    %dma_wait3A_25 = arith.constant 0 : i32
    %dma_wait3A_26 = tpu.memref_slice %arg4[%dma_wait3A, %add3A_4, %dma_wait3A_25] : memref<50x64x4096xf32, #tpu.memory_space<hbm>> -> memref<1x1x4096xf32, #tpu.memory_space<hbm>>
    %dma_wait3A_27 = tpu.memref_squeeze %dma_wait3A_26 : memref<1x1x4096xf32, #tpu.memory_space<hbm>> -> memref<4096xf32, #tpu.memory_space<hbm>>
    tpu.wait_dma2 semaphore(%arg12 : memref<!tpu.dma_semaphore, #tpu.memory_space<semaphore_mem>>) src(%arg8 : memref<4096xf32, #tpu.memory_space<vmem>>) dst(%dma_wait3A_27 : memref<4096xf32, #tpu.memory_space<hbm>>)
    %dma_wait3A_28 = arith.constant 49 : i32
    %dma_wait3A_29 = arith.constant 0 : i32
    %dma_wait3A_30 = tpu.memref_slice %arg4[%dma_wait3A_28, %add3A_4, %dma_wait3A_29] : memref<50x64x4096xf32, #tpu.memory_space<hbm>> -> memref<1x1x4096xf32, #tpu.memory_space<hbm>>
    %dma_wait3A_31 = tpu.memref_squeeze %dma_wait3A_30 : memref<1x1x4096xf32, #tpu.memory_space<hbm>> -> memref<4096xf32, #tpu.memory_space<hbm>>
    %dma_wait3A_32 = arith.constant 0 : i32
    %dma_wait3A_33 = tpu.memref_slice %arg4[%dma_wait3A_28, %add3A_4, %dma_wait3A_32] : memref<50x64x4096xf32, #tpu.memory_space<hbm>> -> memref<1x1x4096xf32, #tpu.memory_space<hbm>>
    %dma_wait3A_34 = tpu.memref_squeeze %dma_wait3A_33 : memref<1x1x4096xf32, #tpu.memory_space<hbm>> -> memref<4096xf32, #tpu.memory_space<hbm>>
    tpu.wait_dma2 semaphore(%arg13 : memref<!tpu.dma_semaphore, #tpu.memory_space<semaphore_mem>>) src(%arg9 : memref<4096xf32, #tpu.memory_space<vmem>>) dst(%dma_wait3A_34 : memref<4096xf32, #tpu.memory_space<hbm>>)
    %add3A_35 = arith.constant 1 : i32
    %add3A_36 = arith.addi %mul3A_2, %add3A_35 : i32
    "tpu.region"() ({
      %run_scoped3A = tpu.sem_alloc : memref<!tpu.dma_semaphore, #tpu.memory_space<semaphore_mem>>
      %dma_start3A_70 = arith.constant 0 : i32
      %dma_start3A_71 = tpu.memref_slice %arg3[%add3A_36, %dma_start3A_70] : memref<64x100000xf32, #tpu.memory_space<hbm>> -> memref<1x100000xf32, #tpu.memory_space<hbm>>
      %dma_start3A_72 = tpu.memref_squeeze %dma_start3A_71 : memref<1x100000xf32, #tpu.memory_space<hbm>> -> memref<100000xf32, #tpu.memory_space<hbm>>
      %dma_start3A_73 = arith.constant 0 : i32
      %dma_start3A_74 = tpu.memref_slice %arg3[%add3A_36, %dma_start3A_73] : memref<64x100000xf32, #tpu.memory_space<hbm>> -> memref<1x100000xf32, #tpu.memory_space<hbm>>
      %dma_start3A_75 = tpu.memref_squeeze %dma_start3A_74 : memref<1x100000xf32, #tpu.memory_space<hbm>> -> memref<100000xf32, #tpu.memory_space<hbm>>
      tpu.enqueue_dma source(%dma_start3A_75 : memref<100000xf32, #tpu.memory_space<hbm>>) target(%arg5 : memref<100000xf32, #tpu.memory_space<vmem>>) target_semaphore(%run_scoped3A : memref<!tpu.dma_semaphore, #tpu.memory_space<semaphore_mem>>)
      %dma_wait3A_76 = arith.constant 0 : i32
      %dma_wait3A_77 = tpu.memref_slice %arg3[%add3A_36, %dma_wait3A_76] : memref<64x100000xf32, #tpu.memory_space<hbm>> -> memref<1x100000xf32, #tpu.memory_space<hbm>>
      %dma_wait3A_78 = tpu.memref_squeeze %dma_wait3A_77 : memref<1x100000xf32, #tpu.memory_space<hbm>> -> memref<100000xf32, #tpu.memory_space<hbm>>
      %dma_wait3A_79 = arith.constant 0 : i32
      %dma_wait3A_80 = tpu.memref_slice %arg3[%add3A_36, %dma_wait3A_79] : memref<64x100000xf32, #tpu.memory_space<hbm>> -> memref<1x100000xf32, #tpu.memory_space<hbm>>
      %dma_wait3A_81 = tpu.memref_squeeze %dma_wait3A_80 : memref<1x100000xf32, #tpu.memory_space<hbm>> -> memref<100000xf32, #tpu.memory_space<hbm>>
      tpu.wait_dma2 semaphore(%run_scoped3A : memref<!tpu.dma_semaphore, #tpu.memory_space<semaphore_mem>>) src(%dma_wait3A_81 : memref<100000xf32, #tpu.memory_space<hbm>>) dst(%arg5 : memref<100000xf32, #tpu.memory_space<vmem>>)
      tpu.yield
    }) : () -> ()
    %dma_start3A_37 = arith.constant 0 : i32
    %dma_start3A_38 = arith.constant 0 : i32
    %dma_start3A_39 = tpu.memref_slice %arg2[%dma_start3A_37, %dma_start3A_38] : memref<50x4096xi32, #tpu.memory_space<hbm>> -> memref<1x4096xi32, #tpu.memory_space<hbm>>
    %dma_start3A_40 = tpu.memref_squeeze %dma_start3A_39 : memref<1x4096xi32, #tpu.memory_space<hbm>> -> memref<4096xi32, #tpu.memory_space<hbm>>
    %dma_start3A_41 = arith.constant 0 : i32
    %dma_start3A_42 = tpu.memref_slice %arg2[%dma_start3A_37, %dma_start3A_41] : memref<50x4096xi32, #tpu.memory_space<hbm>> -> memref<1x4096xi32, #tpu.memory_space<hbm>>
    %dma_start3A_43 = tpu.memref_squeeze %dma_start3A_42 : memref<1x4096xi32, #tpu.memory_space<hbm>> -> memref<4096xi32, #tpu.memory_space<hbm>>
    tpu.enqueue_dma source(%dma_start3A_43 : memref<4096xi32, #tpu.memory_space<hbm>>) target(%arg6 : memref<4096xi32, #tpu.memory_space<vmem>>) target_semaphore(%arg10 : memref<!tpu.dma_semaphore, #tpu.memory_space<semaphore_mem>>)
    %dma_start3A_44 = arith.constant 1 : i32
    %dma_start3A_45 = arith.constant 0 : i32
    %dma_start3A_46 = tpu.memref_slice %arg2[%dma_start3A_44, %dma_start3A_45] : memref<50x4096xi32, #tpu.memory_space<hbm>> -> memref<1x4096xi32, #tpu.memory_space<hbm>>
    %dma_start3A_47 = tpu.memref_squeeze %dma_start3A_46 : memref<1x4096xi32, #tpu.memory_space<hbm>> -> memref<4096xi32, #tpu.memory_space<hbm>>
    %dma_start3A_48 = arith.constant 0 : i32
    %dma_start3A_49 = tpu.memref_slice %arg2[%dma_start3A_44, %dma_start3A_48] : memref<50x4096xi32, #tpu.memory_space<hbm>> -> memref<1x4096xi32, #tpu.memory_space<hbm>>
    %dma_start3A_50 = tpu.memref_squeeze %dma_start3A_49 : memref<1x4096xi32, #tpu.memory_space<hbm>> -> memref<4096xi32, #tpu.memory_space<hbm>>
    tpu.enqueue_dma source(%dma_start3A_50 : memref<4096xi32, #tpu.memory_space<hbm>>) target(%arg7 : memref<4096xi32, #tpu.memory_space<vmem>>) target_semaphore(%arg11 : memref<!tpu.dma_semaphore, #tpu.memory_space<semaphore_mem>>)
    %scan3A_51 = arith.constant 0 : i32
    %scan3A_52 = arith.constant 25 : i32
    %scan3A_53 = arith.addi %scan3A_51, %scan3A_52 : i32
    %scan3A_54 = arith.constant 1 : i32
    scf.for %scan3A_70 = %scan3A_51 to %scan3A_53 step %scan3A_54  : i32 {
      %mul3A_71 = arith.constant 2 : i32
      %mul3A_72 = arith.muli %scan3A_70, %mul3A_71 : i32
      %add3A_73 = arith.constant 0 : i32
      %add3A_74 = arith.addi %add3A_73, %mul3A_72 : i32
      %add3A_75 = arith.constant 0 : i32
      %add3A_76 = arith.addi %add3A_74, %add3A_75 : i32
      %dma_wait3A_77 = arith.constant 0 : i32
      %dma_wait3A_78 = tpu.memref_slice %arg2[%add3A_76, %dma_wait3A_77] : memref<50x4096xi32, #tpu.memory_space<hbm>> -> memref<1x4096xi32, #tpu.memory_space<hbm>>
      %dma_wait3A_79 = tpu.memref_squeeze %dma_wait3A_78 : memref<1x4096xi32, #tpu.memory_space<hbm>> -> memref<4096xi32, #tpu.memory_space<hbm>>
      %dma_wait3A_80 = arith.constant 0 : i32
      %dma_wait3A_81 = tpu.memref_slice %arg2[%add3A_76, %dma_wait3A_80] : memref<50x4096xi32, #tpu.memory_space<hbm>> -> memref<1x4096xi32, #tpu.memory_space<hbm>>
      %dma_wait3A_82 = tpu.memref_squeeze %dma_wait3A_81 : memref<1x4096xi32, #tpu.memory_space<hbm>> -> memref<4096xi32, #tpu.memory_space<hbm>>
      tpu.wait_dma2 semaphore(%arg10 : memref<!tpu.dma_semaphore, #tpu.memory_space<semaphore_mem>>) src(%dma_wait3A_82 : memref<4096xi32, #tpu.memory_space<hbm>>) dst(%arg6 : memref<4096xi32, #tpu.memory_space<vmem>>)
      %add3A_83 = arith.constant 2 : i32
      %add3A_84 = arith.addi %add3A_76, %add3A_83 : i32
      %lt3A = arith.constant 50 : i32
      %lt3A_85 = arith.cmpi slt, %add3A_84, %lt3A : i32
      %convert_element_type3A = arith.extui %lt3A_85 : i1 to i32
      %cond3A = arith.constant 0 : i32
      %cond3A_86 = arith.cmpi ne, %convert_element_type3A, %cond3A : i32
      scf.if %cond3A_86 {
        %add3A_128 = arith.constant 2 : i32
        %add3A_129 = arith.addi %add3A_76, %add3A_128 : i32
        %dma_start3A_130 = arith.constant 0 : i32
        %dma_start3A_131 = tpu.memref_slice %arg2[%add3A_129, %dma_start3A_130] : memref<50x4096xi32, #tpu.memory_space<hbm>> -> memref<1x4096xi32, #tpu.memory_space<hbm>>
        %dma_start3A_132 = tpu.memref_squeeze %dma_start3A_131 : memref<1x4096xi32, #tpu.memory_space<hbm>> -> memref<4096xi32, #tpu.memory_space<hbm>>
        %dma_start3A_133 = arith.constant 0 : i32
        %dma_start3A_134 = tpu.memref_slice %arg2[%add3A_129, %dma_start3A_133] : memref<50x4096xi32, #tpu.memory_space<hbm>> -> memref<1x4096xi32, #tpu.memory_space<hbm>>
        %dma_start3A_135 = tpu.memref_squeeze %dma_start3A_134 : memref<1x4096xi32, #tpu.memory_space<hbm>> -> memref<4096xi32, #tpu.memory_space<hbm>>
        tpu.enqueue_dma source(%dma_start3A_135 : memref<4096xi32, #tpu.memory_space<hbm>>) target(%arg6 : memref<4096xi32, #tpu.memory_space<vmem>>) target_semaphore(%arg10 : memref<!tpu.dma_semaphore, #tpu.memory_space<semaphore_mem>>)
      } else {
      }
      %ge3A = arith.constant 2 : i32
      %ge3A_87 = arith.cmpi sge, %add3A_76, %ge3A : i32
      %convert_element_type3A_88 = arith.extui %ge3A_87 : i1 to i32
      %cond3A_89 = arith.constant 0 : i32
      %cond3A_90 = arith.cmpi ne, %convert_element_type3A_88, %cond3A_89 : i32
      scf.if %cond3A_90 {
        %sub3A = arith.constant 2 : i32
        %sub3A_128 = arith.subi %add3A_76, %sub3A : i32
        %dma_wait3A_129 = arith.constant 0 : i32
        %dma_wait3A_130 = tpu.memref_slice %arg4[%sub3A_128, %add3A_36, %dma_wait3A_129] : memref<50x64x4096xf32, #tpu.memory_space<hbm>> -> memref<1x1x4096xf32, #tpu.memory_space<hbm>>
        %dma_wait3A_131 = tpu.memref_squeeze %dma_wait3A_130 : memref<1x1x4096xf32, #tpu.memory_space<hbm>> -> memref<4096xf32, #tpu.memory_space<hbm>>
        %dma_wait3A_132 = arith.constant 0 : i32
        %dma_wait3A_133 = tpu.memref_slice %arg4[%sub3A_128, %add3A_36, %dma_wait3A_132] : memref<50x64x4096xf32, #tpu.memory_space<hbm>> -> memref<1x1x4096xf32, #tpu.memory_space<hbm>>
        %dma_wait3A_134 = tpu.memref_squeeze %dma_wait3A_133 : memref<1x1x4096xf32, #tpu.memory_space<hbm>> -> memref<4096xf32, #tpu.memory_space<hbm>>
        tpu.wait_dma2 semaphore(%arg12 : memref<!tpu.dma_semaphore, #tpu.memory_space<semaphore_mem>>) src(%arg8 : memref<4096xf32, #tpu.memory_space<vmem>>) dst(%dma_wait3A_134 : memref<4096xf32, #tpu.memory_space<hbm>>)
      } else {
      }
      %parallel_loop3A = arith.constant 0 : i32
      %parallel_loop3A_91 = arith.constant 256 : i32
      %parallel_loop3A_92 = arith.constant 1 : i32
      scf.for %parallel_loop3A_128 = %parallel_loop3A to %parallel_loop3A_91 step %parallel_loop3A_92  : i32 {
        %parallel_loop3A_129 = arith.constant 16 : i32
        %parallel_loop3A_130 = arith.muli %parallel_loop3A_128, %parallel_loop3A_129 : i32
        %parallel_loop3A_131 = arith.index_cast %parallel_loop3A_130 : i32 to index
        %parallel_loop3A_132 = tpu.vector_load %arg6[%parallel_loop3A_131] {strides = array<i32>} : memref<4096xi32, #tpu.memory_space<vmem>>, vector<16xi32>,
        %parallel_loop3A_133 = tpu.vector_load_idx %arg5[%parallel_loop3A_132] : memref<100000xf32, #tpu.memory_space<vmem>>[vector<16xi32>], vector<16xf32>,
        %parallel_loop3A_134 = arith.constant 16 : i32
        %parallel_loop3A_135 = arith.muli %parallel_loop3A_128, %parallel_loop3A_134 : i32
        %parallel_loop3A_136 = arith.index_cast %parallel_loop3A_135 : i32 to index
        %parallel_loop3A_137 = tpu.vector_load %arg8[%parallel_loop3A_136] {strides = array<i32>} : memref<4096xf32, #tpu.memory_space<vmem>>, vector<16xf32>,
        tpu.vector_store %arg8[%parallel_loop3A_136], %parallel_loop3A_133 {strides = array<i32>} : memref<4096xf32, #tpu.memory_space<vmem>>, vector<16xf32>,
      } {sc.loop_unroll_factor = 8 : i64, sc.parallel_access}
      %dma_start3A_93 = arith.constant 0 : i32
      %dma_start3A_94 = tpu.memref_slice %arg4[%add3A_76, %add3A_36, %dma_start3A_93] : memref<50x64x4096xf32, #tpu.memory_space<hbm>> -> memref<1x1x4096xf32, #tpu.memory_space<hbm>>
      %dma_start3A_95 = tpu.memref_squeeze %dma_start3A_94 : memref<1x1x4096xf32, #tpu.memory_space<hbm>> -> memref<4096xf32, #tpu.memory_space<hbm>>
      %dma_start3A_96 = arith.constant 0 : i32
      %dma_start3A_97 = tpu.memref_slice %arg4[%add3A_76, %add3A_36, %dma_start3A_96] : memref<50x64x4096xf32, #tpu.memory_space<hbm>> -> memref<1x1x4096xf32, #tpu.memory_space<hbm>>
      %dma_start3A_98 = tpu.memref_squeeze %dma_start3A_97 : memref<1x1x4096xf32, #tpu.memory_space<hbm>> -> memref<4096xf32, #tpu.memory_space<hbm>>
      tpu.enqueue_dma source(%arg8 : memref<4096xf32, #tpu.memory_space<vmem>>) target(%dma_start3A_98 : memref<4096xf32, #tpu.memory_space<hbm>>) target_semaphore(%arg12 : memref<!tpu.dma_semaphore, #tpu.memory_space<semaphore_mem>>)
      %add3A_99 = arith.constant 1 : i32
      %add3A_100 = arith.addi %add3A_74, %add3A_99 : i32
      %dma_wait3A_101 = arith.constant 0 : i32
      %dma_wait3A_102 = tpu.memref_slice %arg2[%add3A_100, %dma_wait3A_101] : memref<50x4096xi32, #tpu.memory_space<hbm>> -> memref<1x4096xi32, #tpu.memory_space<hbm>>
      %dma_wait3A_103 = tpu.memref_squeeze %dma_wait3A_102 : memref<1x4096xi32, #tpu.memory_space<hbm>> -> memref<4096xi32, #tpu.memory_space<hbm>>
      %dma_wait3A_104 = arith.constant 0 : i32
      %dma_wait3A_105 = tpu.memref_slice %arg2[%add3A_100, %dma_wait3A_104] : memref<50x4096xi32, #tpu.memory_space<hbm>> -> memref<1x4096xi32, #tpu.memory_space<hbm>>
      %dma_wait3A_106 = tpu.memref_squeeze %dma_wait3A_105 : memref<1x4096xi32, #tpu.memory_space<hbm>> -> memref<4096xi32, #tpu.memory_space<hbm>>
      tpu.wait_dma2 semaphore(%arg11 : memref<!tpu.dma_semaphore, #tpu.memory_space<semaphore_mem>>) src(%dma_wait3A_106 : memref<4096xi32, #tpu.memory_space<hbm>>) dst(%arg7 : memref<4096xi32, #tpu.memory_space<vmem>>)
      %add3A_107 = arith.constant 2 : i32
      %add3A_108 = arith.addi %add3A_100, %add3A_107 : i32
      %lt3A_109 = arith.constant 50 : i32
      %lt3A_110 = arith.cmpi slt, %add3A_108, %lt3A_109 : i32
      %convert_element_type3A_111 = arith.extui %lt3A_110 : i1 to i32
      %cond3A_112 = arith.constant 0 : i32
      %cond3A_113 = arith.cmpi ne, %convert_element_type3A_111, %cond3A_112 : i32
      scf.if %cond3A_113 {
        %add3A_128 = arith.constant 2 : i32
        %add3A_129 = arith.addi %add3A_100, %add3A_128 : i32
        %dma_start3A_130 = arith.constant 0 : i32
        %dma_start3A_131 = tpu.memref_slice %arg2[%add3A_129, %dma_start3A_130] : memref<50x4096xi32, #tpu.memory_space<hbm>> -> memref<1x4096xi32, #tpu.memory_space<hbm>>
        %dma_start3A_132 = tpu.memref_squeeze %dma_start3A_131 : memref<1x4096xi32, #tpu.memory_space<hbm>> -> memref<4096xi32, #tpu.memory_space<hbm>>
        %dma_start3A_133 = arith.constant 0 : i32
        %dma_start3A_134 = tpu.memref_slice %arg2[%add3A_129, %dma_start3A_133] : memref<50x4096xi32, #tpu.memory_space<hbm>> -> memref<1x4096xi32, #tpu.memory_space<hbm>>
        %dma_start3A_135 = tpu.memref_squeeze %dma_start3A_134 : memref<1x4096xi32, #tpu.memory_space<hbm>> -> memref<4096xi32, #tpu.memory_space<hbm>>
        tpu.enqueue_dma source(%dma_start3A_135 : memref<4096xi32, #tpu.memory_space<hbm>>) target(%arg7 : memref<4096xi32, #tpu.memory_space<vmem>>) target_semaphore(%arg11 : memref<!tpu.dma_semaphore, #tpu.memory_space<semaphore_mem>>)
      } else {
      }
      %ge3A_114 = arith.constant 2 : i32
      %ge3A_115 = arith.cmpi sge, %add3A_100, %ge3A_114 : i32
      %convert_element_type3A_116 = arith.extui %ge3A_115 : i1 to i32
      %cond3A_117 = arith.constant 0 : i32
      %cond3A_118 = arith.cmpi ne, %convert_element_type3A_116, %cond3A_117 : i32
      scf.if %cond3A_118 {
        %sub3A = arith.constant 2 : i32
        %sub3A_128 = arith.subi %add3A_100, %sub3A : i32
        %dma_wait3A_129 = arith.constant 0 : i32
        %dma_wait3A_130 = tpu.memref_slice %arg4[%sub3A_128, %add3A_36, %dma_wait3A_129] : memref<50x64x4096xf32, #tpu.memory_space<hbm>> -> memref<1x1x4096xf32, #tpu.memory_space<hbm>>
        %dma_wait3A_131 = tpu.memref_squeeze %dma_wait3A_130 : memref<1x1x4096xf32, #tpu.memory_space<hbm>> -> memref<4096xf32, #tpu.memory_space<hbm>>
        %dma_wait3A_132 = arith.constant 0 : i32
        %dma_wait3A_133 = tpu.memref_slice %arg4[%sub3A_128, %add3A_36, %dma_wait3A_132] : memref<50x64x4096xf32, #tpu.memory_space<hbm>> -> memref<1x1x4096xf32, #tpu.memory_space<hbm>>
        %dma_wait3A_134 = tpu.memref_squeeze %dma_wait3A_133 : memref<1x1x4096xf32, #tpu.memory_space<hbm>> -> memref<4096xf32, #tpu.memory_space<hbm>>
        tpu.wait_dma2 semaphore(%arg13 : memref<!tpu.dma_semaphore, #tpu.memory_space<semaphore_mem>>) src(%arg9 : memref<4096xf32, #tpu.memory_space<vmem>>) dst(%dma_wait3A_134 : memref<4096xf32, #tpu.memory_space<hbm>>)
      } else {
      }
      %parallel_loop3A_119 = arith.constant 0 : i32
      %parallel_loop3A_120 = arith.constant 256 : i32
      %parallel_loop3A_121 = arith.constant 1 : i32
      scf.for %parallel_loop3A_128 = %parallel_loop3A_119 to %parallel_loop3A_120 step %parallel_loop3A_121  : i32 {
        %parallel_loop3A_129 = arith.constant 16 : i32
        %parallel_loop3A_130 = arith.muli %parallel_loop3A_128, %parallel_loop3A_129 : i32
        %parallel_loop3A_131 = arith.index_cast %parallel_loop3A_130 : i32 to index
        %parallel_loop3A_132 = tpu.vector_load %arg7[%parallel_loop3A_131] {strides = array<i32>} : memref<4096xi32, #tpu.memory_space<vmem>>, vector<16xi32>,
        %parallel_loop3A_133 = tpu.vector_load_idx %arg5[%parallel_loop3A_132] : memref<100000xf32, #tpu.memory_space<vmem>>[vector<16xi32>], vector<16xf32>,
        %parallel_loop3A_134 = arith.constant 16 : i32
        %parallel_loop3A_135 = arith.muli %parallel_loop3A_128, %parallel_loop3A_134 : i32
        %parallel_loop3A_136 = arith.index_cast %parallel_loop3A_135 : i32 to index
        %parallel_loop3A_137 = tpu.vector_load %arg9[%parallel_loop3A_136] {strides = array<i32>} : memref<4096xf32, #tpu.memory_space<vmem>>, vector<16xf32>,
        tpu.vector_store %arg9[%parallel_loop3A_136], %parallel_loop3A_133 {strides = array<i32>} : memref<4096xf32, #tpu.memory_space<vmem>>, vector<16xf32>,
      } {sc.loop_unroll_factor = 8 : i64, sc.parallel_access}
      %dma_start3A_122 = arith.constant 0 : i32
      %dma_start3A_123 = tpu.memref_slice %arg4[%add3A_100, %add3A_36, %dma_start3A_122] : memref<50x64x4096xf32, #tpu.memory_space<hbm>> -> memref<1x1x4096xf32, #tpu.memory_space<hbm>>
      %dma_start3A_124 = tpu.memref_squeeze %dma_start3A_123 : memref<1x1x4096xf32, #tpu.memory_space<hbm>> -> memref<4096xf32, #tpu.memory_space<hbm>>
      %dma_start3A_125 = arith.constant 0 : i32
      %dma_start3A_126 = tpu.memref_slice %arg4[%add3A_100, %add3A_36, %dma_start3A_125] : memref<50x64x4096xf32, #tpu.memory_space<hbm>> -> memref<1x1x4096xf32, #tpu.memory_space<hbm>>
      %dma_start3A_127 = tpu.memref_squeeze %dma_start3A_126 : memref<1x1x4096xf32, #tpu.memory_space<hbm>> -> memref<4096xf32, #tpu.memory_space<hbm>>
      tpu.enqueue_dma source(%arg9 : memref<4096xf32, #tpu.memory_space<vmem>>) target(%dma_start3A_127 : memref<4096xf32, #tpu.memory_space<hbm>>) target_semaphore(%arg13 : memref<!tpu.dma_semaphore, #tpu.memory_space<semaphore_mem>>)
    }
    %scan3A_55 = arith.constant 25 : i32
    %dma_wait3A_56 = arith.constant 48 : i32
    %dma_wait3A_57 = arith.constant 0 : i32
    %dma_wait3A_58 = tpu.memref_slice %arg4[%dma_wait3A_56, %add3A_36, %dma_wait3A_57] : memref<50x64x4096xf32, #tpu.memory_space<hbm>> -> memref<1x1x4096xf32, #tpu.memory_space<hbm>>
    %dma_wait3A_59 = tpu.memref_squeeze %dma_wait3A_58 : memref<1x1x4096xf32, #tpu.memory_space<hbm>> -> memref<4096xf32, #tpu.memory_space<hbm>>
    %dma_wait3A_60 = arith.constant 0 : i32
    %dma_wait3A_61 = tpu.memref_slice %arg4[%dma_wait3A_56, %add3A_36, %dma_wait3A_60] : memref<50x64x4096xf32, #tpu.memory_space<hbm>> -> memref<1x1x4096xf32, #tpu.memory_space<hbm>>
    %dma_wait3A_62 = tpu.memref_squeeze %dma_wait3A_61 : memref<1x1x4096xf32, #tpu.memory_space<hbm>> -> memref<4096xf32, #tpu.memory_space<hbm>>
    tpu.wait_dma2 semaphore(%arg12 : memref<!tpu.dma_semaphore, #tpu.memory_space<semaphore_mem>>) src(%arg8 : memref<4096xf32, #tpu.memory_space<vmem>>) dst(%dma_wait3A_62 : memref<4096xf32, #tpu.memory_space<hbm>>)
    %dma_wait3A_63 = arith.constant 49 : i32
    %dma_wait3A_64 = arith.constant 0 : i32
    %dma_wait3A_65 = tpu.memref_slice %arg4[%dma_wait3A_63, %add3A_36, %dma_wait3A_64] : memref<50x64x4096xf32, #tpu.memory_space<hbm>> -> memref<1x1x4096xf32, #tpu.memory_space<hbm>>
    %dma_wait3A_66 = tpu.memref_squeeze %dma_wait3A_65 : memref<1x1x4096xf32, #tpu.memory_space<hbm>> -> memref<4096xf32, #tpu.memory_space<hbm>>
    %dma_wait3A_67 = arith.constant 0 : i32
    %dma_wait3A_68 = tpu.memref_slice %arg4[%dma_wait3A_63, %add3A_36, %dma_wait3A_67] : memref<50x64x4096xf32, #tpu.memory_space<hbm>> -> memref<1x1x4096xf32, #tpu.memory_space<hbm>>
    %dma_wait3A_69 = tpu.memref_squeeze %dma_wait3A_68 : memref<1x1x4096xf32, #tpu.memory_space<hbm>> -> memref<4096xf32, #tpu.memory_space<hbm>>
    tpu.wait_dma2 semaphore(%arg13 : memref<!tpu.dma_semaphore, #tpu.memory_space<semaphore_mem>>) src(%arg9 : memref<4096xf32, #tpu.memory_space<vmem>>) dst(%dma_wait3A_69 : memref<4096xf32, #tpu.memory_space<hbm>>)
    return
  }
}

</mosaic_0001>

<sc_bundles>
// kernel: kernel.3.cloned.1.call-start
scs
__scs_entry_jumppad:
0x0: {  	(pc) =	sbr.rel $0x88, $3  }
0x1: {  	(tag) =	ssettag $0x0;
	lr =	simm.s32 $0x1  }
0x2: {  	[smem:$0x3F9F] =	sst lr;
	_ =	strace $0xD0000000  }
0x3: {  	_ = 	snop  }
0x4: {  	_ = 	snop  }
0x5: {  	_ = 	snop  }
0x6: {  	_ = 	snop  }
0x7: {  	_ = 	snop  }
__scs_overlays_trampoline_lowered:
0x8: {  	[smem:$0x3FAE] =	sst s0  }
0x9: {  	[smem:$0x3FAF] =	sst s1  }
0xa: {  	[smem:$0x3FB0] =	sst s2  }
0xb: {  	[smem:$0x3FB1] =	sst s3  }
0xc: {  	[smem:$0x3FB2] =	sst s4  }
0xd: {  	[smem:$0x3FB3] =	sst s5  }
0xe: {  	[smem:$0x3FB4] =	sst s6  }
0xf: {  	[smem:$0x3FB5] =	sst s7  }
0x10: {  	[smem:$0x3FB6] =	sst s8  }
0x11: {  	[smem:$0x3FB7] =	sst s9;
	s0 =	simm.s32 @!p0 $0x0  }
0x12: {  	s1 =	sld [smem:$0x3F9D];
	s0 =	simm.s32 @p0 $0x1  }
0x13: {  	[smem:$0x3FB8] =	sst s0;
	s0 =	simm.s32 @!p1 $0x0  }
0x14: {  	s2 =	sld [smem:$0x3F9C];
	s0 =	simm.s32 @p1 $0x1  }
0x15: {  	[smem:$0x3FB9] =	sst s0;
	s0 =	simm.s32 @!p2 $0x0  }
0x16: {  	s3 =	sld [smem:$0x3FDB];
	s0 =	simm.s32 @p2 $0x1  }
0x17: {  	s4 =	simm.s32 $0x1BF5;
	[smem:$0x3FBB] =	sst s0  }
0x18: {  	s0 =	sld [smem:$0x3F9E];
	_ =	swait.ge [sflag:s4], $0x0  }
0x19: {  	s7 =	sld [smem:$0x3F9F]  }
0x1a: {  	s8 =	sadd.s32 $0xFFFFE003, lr  }
0x1b: {  	s9 =	sadd.s32 $0xFFFFFEF7, lr;
	s5 =	simm.s32 $0xFFFFFFFF;
	p2 =	slt.u32 s8, $0xFFFFF086  }
0x1c: {  	p1 =	slt.u32 s9, $0xF7A;
	s5 =	simm.s32 @!p2 $0x0  }
0x1d: {  	s5 =	simm.s32 @p1 $0x1;
	p0 =	seq.s32 s7, s2  }
0x1e: {  	s7 =	smul.u32 @!p0 $0xF7A, s2;
	p2 =	seq.s32 @!p0 s5, $0x0  }
0x1f: {  	s9 =	smul.u32 $0xF7A, s1;
	s8 =	simm.s32 @!p0 $0x1BF5;
	p2 =	por !p2, p0  }
0x20: {  	[sflag:s8] =	ssyncset.s32 @!p0 $0xFFFFF086;
	s6 =	sadd.s32 @!p0 s3, s7;
	s7 =	simm.s32 @!p0 $0x108  }
0x21: {  	s3 =	sadd.s32 s3, s9;
	s6 =	sadd.s32 @!p0 $0x88, s6;
	s7 =	simm.s32 @p2 $0x1082  }
0x22: {  	[simem:s7], [sflag:s8] =	dma.local @!p0 [hbm:s6], $0xF7A  }
0x23: {  	s9 =	sor.u32 $0xD0000000, s2;
	s6 =	simm.s32 $0x108;
	_ =	swait.ge @!p0 [sflag:s8], $0x0  }
0x24: {  	s3 =	sadd.s32 $0x88, s3;
	s6 =	simm.s32 @!p1 $0x1082;
	[sflag:s4] =	ssyncset.s32 $0xFFFFF086  }
0x25: {  	[simem:s6], [sflag:s4] =	dma.local [hbm:s3], $0xF7A  }
0x26: {  	[smem:$0x3F9F] =	sst s1;
	(tag) =	ssettag s2;
	_ =	strace s9  }
0x27: {  	s1 =	sld [smem:$0x3FAF]  }
0x28: {  	s2 =	sld [smem:$0x3FB0]  }
0x29: {  	s4 =	sld [smem:$0x3FB2]  }
0x2a: {  	p0 =	seq.s32 s5, $0x0;
	s5 =	sld [smem:$0x3FB3]  }
0x2b: {  	s6 =	sld [smem:$0x3FB4]  }
0x2c: {  	s7 =	sld [smem:$0x3FB5]  }
0x2d: {  	s3 =	simm.s32 $0x108;
	s8 =	sld [smem:$0x3FB6]  }
0x2e: {  	s3 =	simm.s32 @!p0 $0x1082;
	s9 =	sld [smem:$0x3FB7]  }
0x2f: {  	lr =	sadd.s32 s0, s3;
	s0 =	sld [smem:$0x3FAE]  }
0x30: {  	s3 =	sld [smem:$0x3FB1]  }
0x31: {  	[smem:$0x3FBA] =	sst s10  }
0x32: {  	s10 =	sld [smem:$0x3FB8];
	_ =	sdelay $0x3  }
0x33: {  	p0 =	seq.s32 s10, $0x1;
	s10 =	sld [smem:$0x3FBA];
	_ =	sdelay $0x3  }
0x34: {  	[smem:$0x3FBA] =	sst s10  }
0x35: {  	s10 =	sld [smem:$0x3FB9];
	_ =	sdelay $0x3  }
0x36: {  	p1 =	seq.s32 s10, $0x1;
	s10 =	sld [smem:$0x3FBA];
	_ =	sdelay $0x3  }
0x37: {  	[smem:$0x3FBA] =	sst s10  }
0x38: {  	s10 =	sld [smem:$0x3FBB]  }
0x39: {  	_ = 	snop;
	(pc) =	sbr.ind lr, $3  }
0x3a: {  	_ = 	snop  }
0x3b: {  	_ = 	snop  }
0x3c: {  	p2 =	seq.s32 s10, $0x1;
	s10 =	sld [smem:$0x3FBA]  }
0x3d: {  	_ =	shalt  }
0x3e: {  	_ =	shalt  }
0x3f: {  	_ =	shalt  }
0x40: {  	_ =	shalt  }
0x41: {  	_ =	shalt  }
0x42: {  	_ =	shalt  }
0x43: {  	_ =	shalt  }
0x44: {  	_ =	shalt  }
0x45: {  	_ =	shalt  }
0x46: {  	_ =	shalt  }
0x47: {  	_ =	shalt  }
0x48: {  	_ =	shalt  }
0x49: {  	_ =	shalt  }
0x4a: {  	_ =	shalt  }
0x4b: {  	_ =	shalt  }
0x4c: {  	_ =	shalt  }
0x4d: {  	_ =	shalt  }
0x4e: {  	_ =	shalt  }
0x4f: {  	_ =	shalt  }
0x50: {  	_ =	shalt  }
0x51: {  	_ =	shalt  }
0x52: {  	_ =	shalt  }
0x53: {  	_ =	shalt  }
0x54: {  	_ =	shalt  }
0x55: {  	_ =	shalt  }
0x56: {  	_ =	shalt  }
0x57: {  	_ =	shalt  }
0x58: {  	_ =	shalt  }
0x59: {  	_ =	shalt  }
0x5a: {  	_ =	shalt  }
0x5b: {  	_ =	shalt  }
0x5c: {  	_ =	shalt  }
0x5d: {  	_ =	shalt  }
0x5e: {  	_ =	shalt  }
0x5f: {  	_ =	shalt  }
0x60: {  	_ =	shalt  }
0x61: {  	_ =	shalt  }
0x62: {  	_ =	shalt  }
0x63: {  	_ =	shalt  }
0x64: {  	_ =	shalt  }
0x65: {  	_ =	shalt  }
0x66: {  	_ =	shalt  }
0x67: {  	_ =	shalt  }
0x68: {  	_ =	shalt  }
0x69: {  	_ =	shalt  }
0x6a: {  	_ =	shalt  }
0x6b: {  	_ =	shalt  }
0x6c: {  	_ =	shalt  }
0x6d: {  	_ =	shalt  }
0x6e: {  	_ =	shalt  }
0x6f: {  	_ =	shalt  }
0x70: {  	_ =	shalt  }
0x71: {  	_ =	shalt  }
0x72: {  	_ =	shalt  }
0x73: {  	_ =	shalt  }
0x74: {  	_ =	shalt  }
0x75: {  	_ =	shalt  }
0x76: {  	_ =	shalt  }
0x77: {  	_ =	shalt  }
0x78: {  	_ =	shalt  }
0x79: {  	_ =	shalt  }
0x7a: {  	_ =	shalt  }
0x7b: {  	_ =	shalt  }
0x7c: {  	_ =	shalt  }
0x7d: {  	_ =	shalt  }
0x7e: {  	_ =	shalt  }
0x7f: {  	_ =	shalt  }
0x80: {  	_ =	shalt  }
0x81: {  	_ =	shalt  }
0x82: {  	_ =	shalt  }
0x83: {  	_ =	shalt  }
0x84: {  	_ =	shalt  }
0x85: {  	_ =	shalt  }
0x86: {  	_ =	shalt  }
0x87: {  	_ =	shalt  }
.Lfunc_end0:
.L_simem_size_0:
called_computation_lowered:
.L_overlay_start_0:
0x88: {  	s2 =	sld [smem:$0x3FD9]  }
0x89: {  	s3 =	sld [smem:$0x3FFE];
	_ =	sdelay $0x1  }
0x8a: {  	s1 =	srdreg.scid  }
0x8b: {  	s0 =	sand.u32 $0x1, s1  }
0x8c: {  	s18 =	sshll.u32 s0, $0xA;
	s2 =	sadd.s32 s3, s2  }
0x8d: {  	s2 =	sadd.s32 s2, s18  }
0x8e: {  	[smem:$0x3FC6] =	sst s2  }
0x8f: {  	_ = 	snop  }
0x90: {  	s2 =	sld [smem:$0x3FC9]  }
0x91: {  	s19 =	sld [smem:$0x3FC8]  }
0x92: {  	s4 =	sld [smem:$0x3FD0];
	(tm) =	ssettm $0x1  }
0x93: {  	s5 =	sld [smem:$0x3FFB];
	_ =	sdelay $0x3  }
0x94: {  	_ =	strace s5  }
0x95: {  	s5 =	sld [smem:$0x3FFC];
	_ =	sdelay $0x3  }
0x96: {  	_ =	strace s5  }
0x97: {  	s5 =	sld [smem:$0x3FFD];
	_ =	sdelay $0x3  }
0x98: {  	_ =	strace s5  }
0x99: {  	_ =	strace $0x8FFFFFFF  }
0x9a: {  	s20 =	sld [smem:$0x3FDB];
	_ =	sdelay $0x1  }
0x9b: {  	s6 =	simm.s32 $_scs_section_size  }
0x9c: {  	s7 =	simm.s32 $_size__tile_overlayer_lowered;
	s8 =	simm.s32 $_tile_overlayer_lowered  }
0x9d: {  	s23 =	simm.s32 $0x1BFF;
	s22 =	sshll.u32 s8, $0x1;
	s5 =	sadd.s32 s6, s20  }
0x9e: {  	s9 =	simm.s32 $0x0;
	s21 =	sshll.u32 s7, $0x1;
	s7 =	sadd.s32 s22, s5  }
0x9f: {  	[timem:s9], [sflag:s23] =	dma.local [hbm:s7], s21  }
0xa0: {  	_ =	swait.ge [sflag:s23], s21  }
0xa1: {  	s6 =	ssub.s32 $0x0, s21;
	[sflag:s23] =	ssyncset.done $0x0  }
0xa2: {  	[sflag:s23] =	ssyncadd.s32 s6;
	_ =	sdelay $0x1  }
0xa3: {  	s24 =	simm.s32 $0x1B8B  }
0xa4: {  	_ =	swait.ge [sflag:s24], $0x1  }
0xa5: {  	[sflag:s24] =	ssyncset.done $0x0  }
0xa6: {  	s25 =	simm.s32 $0x1B8E;
	[sflag:s24] =	ssyncadd.s32 $0xFFFFFFFF  }
0xa7: {  	s26 =	simm.s32 $execute0_lowered;
	[smem:$0x3FD2] =	sst s25  }
0xa8: {  	s6 =	sshll.u32 s26, $0x1;
	_ =	strace $0x80000046;
	[dreg:$0x1] =	wrdreg $0xFFFFFFFF  }
0xa9: {  	s28 =	simm.s32 $_size_execute0_lowered;
	s5 =	sadd.s32 s5, s6;
	[dreg:$0x0] =	wrdreg $0x0  }
0xaa: {  	s6 =	sshll.u32 s28, $0x1;
	[dreg:$0x2] =	wrdreg s5  }
0xab: {  	[dreg:$0x3] =	wrdreg s6  }
0xac: {  	[dreg:$0x4] =	wrdreg $0xC0  }
0xad: {  	_ =	task [dreg:s9], $0x5FFFF  }
0xae: {  	[dreg:$0x1] =	wrdreg $0xFFFFFFFF  }
0xaf: {  	[dreg:$0x0] =	wrdreg $0x60  }
0xb0: {  	[dreg:$0x2] =	wrdreg s2  }
0xb1: {  	[dreg:$0x3] =	wrdreg s19  }
0xb2: {  	[dreg:$0x4] =	wrdreg s4  }
0xb3: {  	[dreg:$0x5] =	wrdreg $0x9  }
0xb4: {  	_ =	task.clear_ibuf [dreg:s9], $0x6FFFF;
	_ =	strace $0x90000046  }
0xb5: {  	s29 =	simm.s32 $0x9;
	_ =	strace $0x80000048  }
0xb6: {  	_ =	swait.ge [sflag:s29], $0x1  }
0xb7: {  	[sflag:s29] =	ssyncadd.s32 $0xFFFFFFFF  }
0xb8: {  	_ =	strace $0x90000048  }
0xb9: {  	_ =	sfence  }
0xba: {  	s30 =	sld [smem:$0x0];
	_ =	sdelay $0x2  }
0xbb: {  	s31 =	sshll.u32 s1, $0xD;
	s1 =	sshrl.u32 s1, $0x2  }
0xbc: {  	s3 =	sand.u32 $0x4000, s31;
	s1 =	sadd.s32 s1, s30  }
0xbd: {  	s0 =	sor.u32 s3, s0;
	s1 =	sshll.u32 s1, $0x11  }
0xbe: {  	s0 =	sor.u32 s1, s0  }
0xbf: {  	s0 =	sadd.s32 $0x8F2B, s0  }
0xc0: {  	[sflag:s0] =	ssyncadd.remote.s32 $0x1  }
0xc1: {  	_ =	sfence.sel $0xFFFF  }
0xc2: {  	[dreg:$0x0] =	wrdreg $0xFFFFFFFF;
	(pc) =	sbr.abs _section_cstart, $3  }
0xc3: {  	[dreg:$0x1] =	wrdreg $0xFFFFFFFF  }
0xc4: {  	_ =	task.clear_ibuf [dreg:s9], $0x2FFFF;
	_ =	strace $0x9FFFFFFF  }
0xc5: {  	(tm) =	ssettm $0x7FFFFFFF  }
tec
execute0_lowered:
.L_overlay_start_1:
0x0: {  	(tag) =	ssettag $0x1  }
0x1: {  	s1 =	rddreg [dreg:$0x0]  }
0x2: {  	s11 =	rddreg [dreg:$0x1]  }
0x3: {  	s3 =	rddreg [dreg:$0x2]  }
0x4: {  	s0 =	rddreg [dreg:$0x3];
	s4 =	simm.s32 $0x0;
	s5 =	srdreg.scid  }
0x5: {  	s2 =	stileid.u32;
	s14 =	simm.s32 $0x400;
	s15 =	simm.s32 $0x5  }
0x6: {  	s16 =	simm.s32 $0x18700;
	s17 =	simm.s32 $0x19700;
	s18 =	simm.s32 $0x1  }
0x7: {  	s19 =	simm.s32 $0x1A700;
	s20 =	simm.s32 $0x2;
	s21 =	simm.s32 $0x1B700  }
0x8: {  	s22 =	simm.s32 $0x3;
	s23 =	simm.s32 $0x4;
	s24 =	simm.s32 $0x0  }
0x9: {  	s6 =	sand.u32 $0x1, s5;
	s26 =	sshll.u32 s2, $0x9;
	s9 =	sshrl.u32 s2, $0x1  }
0xa: {  	[smem:$0x7FF] =	sst s4;
	s7 =	sshll.u32 s6, $0x8;
	s5 =	sand.u32 $0x200, s26  }
0xb: {  	s8 =	smul.u32 $0xC3800, s9;
	_ =	strace $0x80000047;
	s28 =	ssub.s32 $0x2, s6  }
0xc: {  	s9 =	sshll.u32 s9, $0xF;
	s5 =	sor.u32 s7, s5;
	s10 =	sshrl.u32 s28, $0x1  }
0xd: {  	s29 =	sor.u32 s8, s5;
	s6 =	sor.u32 $0x80, s5;
	s13 =	ssub.s32 s28, s10  }
0xe: {  	s10 =	sadd.s32 $0x8000, s3;
	s12 =	sshrl.u32 s29, $0x3;
	s30 =	sor.u32 s8, s6  }
0xf: {  	s8 =	sadd.s32 $0x10, s1;
	s7 =	sadd.s32 s11, s12;
	s31 =	sshrl.u32 s30, $0x3  }
0x10: {  	s12 =	smax.u32 s13, $0x1;
	s13 =	simm.s32 $0x80;
	s11 =	sadd.s32 s11, s31  }
.LBB2_1:
0x11: {  	[tilespmem:s4], [sflag:$0x5] =	stream.strided.gather [hbm4b:s7+s13], $0x18700, s14, s13, $0x38;
	[tilespmem:$0x1C700] =	vst v63  }
0x12: {  	_ =	swait.ge [sflag:s15], $0x18700  }
0x13: {  	[sflag:s15] =	ssyncset.done $0x0  }
0x14: {  	[sflag:s15] =	ssyncadd.s32 $0xFFFE7900  }
0x15: {  	[tilespmem:s16], [sflag:$0x1] =	stream.strided.gather [hbm4b:s1+s13], $0x1000, s14, s13, $0x38;
	[tilespmem:$0x1C700] =	vst v63  }
0x16: {  	s25 =	simm.s32 $0x0  }
0x17: {  	[tilespmem:s17], [sflag:$0x2] =	stream.strided.gather [hbm4b:s8+s13], $0x1000, s14, s13, $0x38;
	[tilespmem:$0x1C700] =	vst v63  }
.LBB2_2:
0x18: {  	s26 =	sshll.u32 s25, $0x1;
	p0 =	seq.s32 s25, $0x18;
	_ =	swait.ge [sflag:s18], $0x1000  }
0x19: {  	s28 =	sadd.s32 @!p0 $0x2, s26;
	[sflag:s18] =	ssyncset.done $0x0  }
0x1a: {  	s30 =	simm.s32 @!p0 $0x400;
	s31 =	simm.s32 @!p0 $0x18700;
	s29 =	sshll.u32 @!p0 s28, $0x4  }
0x1b: {  	p1 =	seq.s32 @!p0 s25, $0x0;
	s28 =	sshll.u32 @!p0 s28, $0x9;
	s29 =	sand.u32 @!p0 $0x60, s29  }
0x1c: {  	[sflag:s18] =	ssyncadd.s32 $0xFFFFF000;
	s28 =	sand.u32 @!p0 $0xF000, s28;
	s29 =	sadd.s32 @!p0 s1, s29  }
0x1d: {  	p1 =	por p0, !p1;
	s28 =	sadd.s32 @!p0 s28, s29;
	s29 =	simm.s32 @!p0 $0x80  }
0x1e: {  	[tilespmem:s31], [sflag:$0x1] =	stream.strided.gather @!p0 [hbm4b:s28+s29], $0x1000, s30, s29, $0x38;
	[tilespmem:$0x1C700] =	vst v63  }
0x1f: {  	_ =	swait.ge @p1 [sflag:s22], $0x1000  }
0x20: {  	[sflag:s22] =	ssyncset.done @p1 $0x0  }
0x21: {  	s28 =	simm.s32 $0x18740;
	[sflag:s22] =	ssyncadd.s32 @p1 $0xFFFFF000  }
0x22: {  	v0 =	vld [tilespmem:s28+$0x30]  }
0x23: {  	v1 =	vld [tilespmem:s28+$0xFFFFFFD0]  }
0x24: {  	v2 =	vld [tilespmem:s28+$0xFFFFFFE0]  }
0x25: {  	v3 =	vld [tilespmem:s28+$0xFFFFFFF0]  }
0x26: {  	v6 =	vld [tilespmem:s28+$0x0]  }
0x27: {  	v7 =	vld [tilespmem:s28+$0x10]  }
0x28: {  	v8 =	vld [tilespmem:s28+$0x20]  }
0x29: {  	v9 =	vld [tilespmem:s28+$0xFFFFFFC0]  }
0x2a: {  	v10 =	vld.idx.msk [tilespmem:v0+s4+$0x0], $0xffff  }
0x2b: {  	v11 =	vld.idx.msk [tilespmem:v1+s4+$0x0], $0xffff  }
0x2c: {  	v5 =	vld.idx.msk [tilespmem:v2+s4+$0x0], $0xffff  }
0x2d: {  	v4 =	vld.idx.msk [tilespmem:v3+s4+$0x0], $0xffff  }
0x2e: {  	v3 =	vld.idx.msk [tilespmem:v6+s4+$0x0], $0xffff  }
0x2f: {  	s29 =	simm.s32 $0x1A740;
	v1 =	vld.idx.msk [tilespmem:v7+s4+$0x0], $0xffff  }
0x30: {  	v0 =	vld.idx.msk [tilespmem:v8+s4+$0x0], $0xffff;
	[tilespmem:s29+$0x30] =	vst v10  }
0x31: {  	s30 =	simm.s32 $0x187C0;
	s28 =	simm.s32 $0x0;
	v2 =	vld.idx.msk [tilespmem:v9+s4+$0x0], $0xffff;
	[tilespmem:s29+$0xFFFFFFD0] =	vst v11  }
.LBB2_3:
0x32: {  	v6 =	vld [tilespmem:s30+$0x30];
	s28 =	sadd.s32 $0x8, s28;
	[tilespmem:s29+$0xFFFFFFE0] =	vst v5  }
0x33: {  	v5 =	vld [tilespmem:s30+$0xFFFFFFD0];
	p2 =	slt.u32 s28, $0xF8;
	[tilespmem:s29+$0xFFFFFFF0] =	vst v4  }
0x34: {  	v4 =	vld [tilespmem:s30+$0xFFFFFFE0];
	[tilespmem:s29+$0x0] =	vst v3  }
0x35: {  	v3 =	vld [tilespmem:s30+$0xFFFFFFF0];
	[tilespmem:s29+$0x10] =	vst v1  }
0x36: {  	v1 =	vld [tilespmem:s30+$0x0];
	[tilespmem:s29+$0x20] =	vst v0  }
0x37: {  	v0 =	vld [tilespmem:s30+$0x10];
	[tilespmem:s29+$0xFFFFFFC0] =	vst v2  }
0x38: {  	v2 =	vld [tilespmem:s30+$0x20]  }
0x39: {  	v7 =	vld [tilespmem:s30+$0xFFFFFFC0]  }
0x3a: {  	v6 =	vld.idx.msk [tilespmem:v6+s4+$0x0], $0xffff  }
0x3b: {  	v8 =	vld.idx.msk [tilespmem:v5+s4+$0x0], $0xffff  }
0x3c: {  	v5 =	vld.idx.msk [tilespmem:v4+s4+$0x0], $0xffff  }
.Ltmp0:
0x3d: {  	v4 =	vld.idx.msk [tilespmem:v3+s4+$0x0], $0xffff;
	(pc) =	sbr.rel @p2 .LBB2_3-.Ltmp0, $4  }
0x3e: {  	v3 =	vld.idx.msk [tilespmem:v1+s4+$0x0], $0xffff  }
0x3f: {  	s29 =	sadd.s32 $0x80, s29;
	v1 =	vld.idx.msk [tilespmem:v0+s4+$0x0], $0xffff  }
0x40: {  	v0 =	vld.idx.msk [tilespmem:v2+s4+$0x0], $0xffff;
	[tilespmem:s29+$0x30] =	vst v6  }
0x41: {  	s30 =	sadd.s32 $0x80, s30;
	v2 =	vld.idx.msk [tilespmem:v7+s4+$0x0], $0xffff;
	[tilespmem:s29+$0xFFFFFFD0] =	vst v8  }
0x42: {  	[tilespmem:s29+$0xFFFFFFE0] =	vst v5  }
0x43: {  	[tilespmem:s29+$0xFFFFFFF0] =	vst v4;
	s28 =	sshll.u32 s25, $0x13  }
0x44: {  	[tilespmem:s29+$0x0] =	vst v3;
	s28 =	sor.u32 s28, s9  }
0x45: {  	[tilespmem:s29+$0x10] =	vst v1;
	s28 =	sor.u32 s5, s28  }
0x46: {  	[tilespmem:s29+$0x20] =	vst v0;
	s28 =	sshrl.u32 s28, $0x3  }
0x47: {  	s26 =	sadd.s32 @!p0 $0x3, s26;
	[tilespmem:s29+$0xFFFFFFC0] =	vst v2;
	s29 =	sadd.s32 s3, s28  }
0x48: {  	[hbm4b:s29+s13] =	stream.strided.scatter [tilespmem:s19], [sflag:$0x3], $0x1000, s14, s13, $0x38;
	[tilespmem:$0x1C700] =	vst v63  }
0x49: {  	s30 =	simm.s32 @!p0 $0x400;
	s31 =	simm.s32 @!p0 $0x19700;
	s29 =	sshll.u32 @!p0 s26, $0x4  }
0x4a: {  	s26 =	sshll.u32 @!p0 s26, $0x9;
	_ =	swait.ge [sflag:s20], $0x1000;
	s29 =	sand.u32 @!p0 $0x70, s29  }
0x4b: {  	s26 =	sand.u32 @!p0 $0xF000, s26;
	[sflag:s20] =	ssyncset.done $0x0;
	s29 =	sadd.s32 @!p0 s1, s29  }
0x4c: {  	[sflag:s20] =	ssyncadd.s32 $0xFFFFF000;
	s26 =	sadd.s32 @!p0 s26, s29;
	s29 =	simm.s32 @!p0 $0x80  }
0x4d: {  	[tilespmem:s31], [sflag:$0x2] =	stream.strided.gather @!p0 [hbm4b:s26+s29], $0x1000, s30, s29, $0x38;
	[tilespmem:$0x1C700] =	vst v63  }
0x4e: {  	_ =	swait.ge @p1 [sflag:s23], $0x1000  }
0x4f: {  	[sflag:s23] =	ssyncset.done @p1 $0x0  }
0x50: {  	s31 =	simm.s32 $0x19740;
	[sflag:s23] =	ssyncadd.s32 @p1 $0xFFFFF000  }
0x51: {  	v0 =	vld [tilespmem:s31+$0x30]  }
0x52: {  	v1 =	vld [tilespmem:s31+$0xFFFFFFD0]  }
0x53: {  	v2 =	vld [tilespmem:s31+$0xFFFFFFE0]  }
0x54: {  	v3 =	vld [tilespmem:s31+$0xFFFFFFF0]  }
0x55: {  	v4 =	vld [tilespmem:s31+$0x0]  }
0x56: {  	v6 =	vld [tilespmem:s31+$0x10]  }
0x57: {  	v7 =	vld [tilespmem:s31+$0x20]  }
0x58: {  	v8 =	vld [tilespmem:s31+$0xFFFFFFC0]  }
0x59: {  	v9 =	vld.idx.msk [tilespmem:v0+s4+$0x0], $0xffff  }
0x5a: {  	v10 =	vld.idx.msk [tilespmem:v1+s4+$0x0], $0xffff  }
0x5b: {  	v5 =	vld.idx.msk [tilespmem:v2+s4+$0x0], $0xffff  }
0x5c: {  	v3 =	vld.idx.msk [tilespmem:v3+s4+$0x0], $0xffff  }
0x5d: {  	v0 =	vld.idx.msk [tilespmem:v4+s4+$0x0], $0xffff  }
0x5e: {  	s26 =	simm.s32 $0x1B740;
	v1 =	vld.idx.msk [tilespmem:v6+s4+$0x0], $0xffff  }
0x5f: {  	v2 =	vld.idx.msk [tilespmem:v7+s4+$0x0], $0xffff;
	[tilespmem:s26+$0x30] =	vst v9  }
0x60: {  	s29 =	simm.s32 $0x0;
	s30 =	simm.s32 $0x197C0;
	v4 =	vld.idx.msk [tilespmem:v8+s4+$0x0], $0xffff;
	[tilespmem:s26+$0xFFFFFFD0] =	vst v10  }
.LBB2_5:
0x61: {  	v6 =	vld [tilespmem:s30+$0x30];
	s29 =	sadd.s32 $0x8, s29;
	[tilespmem:s26+$0xFFFFFFE0] =	vst v5  }
0x62: {  	v5 =	vld [tilespmem:s30+$0xFFFFFFD0];
	p0 =	slt.u32 s29, $0xF8;
	[tilespmem:s26+$0xFFFFFFF0] =	vst v3  }
0x63: {  	v3 =	vld [tilespmem:s30+$0xFFFFFFE0];
	[tilespmem:s26+$0x0] =	vst v0  }
0x64: {  	v0 =	vld [tilespmem:s30+$0xFFFFFFF0];
	[tilespmem:s26+$0x10] =	vst v1  }
0x65: {  	v1 =	vld [tilespmem:s30+$0x0];
	[tilespmem:s26+$0x20] =	vst v2  }
0x66: {  	v2 =	vld [tilespmem:s30+$0x10];
	[tilespmem:s26+$0xFFFFFFC0] =	vst v4  }
0x67: {  	v4 =	vld [tilespmem:s30+$0x20]  }
0x68: {  	v7 =	vld [tilespmem:s30+$0xFFFFFFC0]  }
0x69: {  	v6 =	vld.idx.msk [tilespmem:v6+s4+$0x0], $0xffff  }
0x6a: {  	v8 =	vld.idx.msk [tilespmem:v5+s4+$0x0], $0xffff  }
0x6b: {  	v5 =	vld.idx.msk [tilespmem:v3+s4+$0x0], $0xffff  }
.Ltmp1:
0x6c: {  	v3 =	vld.idx.msk [tilespmem:v0+s4+$0x0], $0xffff;
	(pc) =	sbr.rel @p0 .LBB2_5-.Ltmp1, $4  }
0x6d: {  	v0 =	vld.idx.msk [tilespmem:v1+s4+$0x0], $0xffff  }
0x6e: {  	s26 =	sadd.s32 $0x80, s26;
	v1 =	vld.idx.msk [tilespmem:v2+s4+$0x0], $0xffff  }
0x6f: {  	v2 =	vld.idx.msk [tilespmem:v4+s4+$0x0], $0xffff;
	[tilespmem:s26+$0x30] =	vst v6  }
0x70: {  	s30 =	sadd.s32 $0x80, s30;
	v4 =	vld.idx.msk [tilespmem:v7+s4+$0x0], $0xffff;
	[tilespmem:s26+$0xFFFFFFD0] =	vst v8  }
0x71: {  	[tilespmem:s26+$0xFFFFFFE0] =	vst v5;
	s25 =	sadd.s32 $0x1, s25  }
0x72: {  	[tilespmem:s26+$0xFFFFFFF0] =	vst v3;
	p0 =	sne.s32 s25, $0x19  }
.Ltmp2:
0x73: {  	[tilespmem:s26+$0x0] =	vst v0;
	(pc) =	sbr.rel @p0 .LBB2_2-.Ltmp2, $4  }
0x74: {  	[tilespmem:s26+$0x10] =	vst v1  }
0x75: {  	[tilespmem:s26+$0x20] =	vst v2  }
0x76: {  	s31 =	sadd.s32 s28, s10;
	[tilespmem:s26+$0xFFFFFFC0] =	vst v4  }
0x77: {  	[hbm4b:s31+s13] =	stream.strided.scatter [tilespmem:s21], [sflag:$0x4], $0x1000, s14, s13, $0x38;
	[tilespmem:$0x1C700] =	vst v63  }
0x78: {  	_ =	swait.ge [sflag:s22], $0x1000  }
0x79: {  	[sflag:s22] =	ssyncset.done $0x0  }
0x7a: {  	[sflag:s22] =	ssyncadd.s32 $0xFFFFF000  }
0x7b: {  	_ =	swait.ge [sflag:s23], $0x1000  }
0x7c: {  	[sflag:s23] =	ssyncset.done $0x0  }
0x7d: {  	s25 =	simm.s32 $0x0;
	[sflag:s23] =	ssyncadd.s32 $0xFFFFF000  }
0x7e: {  	[tilespmem:s25], [sflag:$0x5] =	stream.strided.gather [hbm4b:s11+s13], $0x18700, s14, s13, $0x38;
	[tilespmem:$0x1C700] =	vst v63  }
0x7f: {  	_ =	swait.ge [sflag:s15], $0x18700  }
0x80: {  	[sflag:s15] =	ssyncset.done $0x0  }
0x81: {  	[sflag:s15] =	ssyncadd.s32 $0xFFFE7900  }
0x82: {  	[tilespmem:s16], [sflag:$0x1] =	stream.strided.gather [hbm4b:s1+s13], $0x1000, s14, s13, $0x38;
	[tilespmem:$0x1C700] =	vst v63  }
0x83: {  	_ = 	snop  }
0x84: {  	[tilespmem:s17], [sflag:$0x2] =	stream.strided.gather [hbm4b:s8+s13], $0x1000, s14, s13, $0x38;
	[tilespmem:$0x1C700] =	vst v63  }
.LBB2_8:
0x85: {  	s26 =	sshll.u32 s25, $0x1;
	p0 =	seq.s32 s25, $0x18;
	_ =	swait.ge [sflag:s18], $0x1000  }
0x86: {  	s28 =	sadd.s32 @!p0 $0x2, s26;
	[sflag:s18] =	ssyncset.done $0x0  }
0x87: {  	s30 =	simm.s32 @!p0 $0x400;
	s31 =	simm.s32 @!p0 $0x18700;
	s29 =	sshll.u32 @!p0 s28, $0x4  }
0x88: {  	p1 =	seq.s32 @!p0 s25, $0x0;
	s28 =	sshll.u32 @!p0 s28, $0x9;
	s29 =	sand.u32 @!p0 $0x60, s29  }
0x89: {  	[sflag:s18] =	ssyncadd.s32 $0xFFFFF000;
	s28 =	sand.u32 @!p0 $0xF000, s28;
	s29 =	sadd.s32 @!p0 s1, s29  }
0x8a: {  	p1 =	por p0, !p1;
	s28 =	sadd.s32 @!p0 s28, s29;
	s29 =	simm.s32 @!p0 $0x80  }
0x8b: {  	[tilespmem:s31], [sflag:$0x1] =	stream.strided.gather @!p0 [hbm4b:s28+s29], $0x1000, s30, s29, $0x38;
	[tilespmem:$0x1C700] =	vst v63  }
0x8c: {  	_ =	swait.ge @p1 [sflag:s22], $0x1000  }
0x8d: {  	[sflag:s22] =	ssyncset.done @p1 $0x0  }
0x8e: {  	s28 =	simm.s32 $0x18740;
	[sflag:s22] =	ssyncadd.s32 @p1 $0xFFFFF000  }
0x8f: {  	v0 =	vld [tilespmem:s28+$0x30]  }
0x90: {  	v1 =	vld [tilespmem:s28+$0xFFFFFFD0]  }
0x91: {  	v2 =	vld [tilespmem:s28+$0xFFFFFFE0]  }
0x92: {  	v3 =	vld [tilespmem:s28+$0xFFFFFFF0]  }
0x93: {  	v6 =	vld [tilespmem:s28+$0x0]  }
0x94: {  	v7 =	vld [tilespmem:s28+$0x10]  }
0x95: {  	v8 =	vld [tilespmem:s28+$0x20]  }
0x96: {  	v9 =	vld [tilespmem:s28+$0xFFFFFFC0]  }
0x97: {  	v10 =	vld.idx.msk [tilespmem:v0+s4+$0x0], $0xffff  }
0x98: {  	v11 =	vld.idx.msk [tilespmem:v1+s4+$0x0], $0xffff  }
0x99: {  	v5 =	vld.idx.msk [tilespmem:v2+s4+$0x0], $0xffff  }
0x9a: {  	v4 =	vld.idx.msk [tilespmem:v3+s4+$0x0], $0xffff  }
0x9b: {  	v3 =	vld.idx.msk [tilespmem:v6+s4+$0x0], $0xffff  }
0x9c: {  	s29 =	simm.s32 $0x1A740;
	v1 =	vld.idx.msk [tilespmem:v7+s4+$0x0], $0xffff  }
0x9d: {  	v0 =	vld.idx.msk [tilespmem:v8+s4+$0x0], $0xffff;
	[tilespmem:s29+$0x30] =	vst v10  }
0x9e: {  	s30 =	simm.s32 $0x187C0;
	s28 =	simm.s32 $0x0;
	v2 =	vld.idx.msk [tilespmem:v9+s4+$0x0], $0xffff;
	[tilespmem:s29+$0xFFFFFFD0] =	vst v11  }
.LBB2_9:
0x9f: {  	v6 =	vld [tilespmem:s30+$0x30];
	s28 =	sadd.s32 $0x8, s28;
	[tilespmem:s29+$0xFFFFFFE0] =	vst v5  }
0xa0: {  	v5 =	vld [tilespmem:s30+$0xFFFFFFD0];
	p2 =	slt.u32 s28, $0xF8;
	[tilespmem:s29+$0xFFFFFFF0] =	vst v4  }
0xa1: {  	v4 =	vld [tilespmem:s30+$0xFFFFFFE0];
	[tilespmem:s29+$0x0] =	vst v3  }
0xa2: {  	v3 =	vld [tilespmem:s30+$0xFFFFFFF0];
	[tilespmem:s29+$0x10] =	vst v1  }
0xa3: {  	v1 =	vld [tilespmem:s30+$0x0];
	[tilespmem:s29+$0x20] =	vst v0  }
0xa4: {  	v0 =	vld [tilespmem:s30+$0x10];
	[tilespmem:s29+$0xFFFFFFC0] =	vst v2  }
0xa5: {  	v2 =	vld [tilespmem:s30+$0x20]  }
0xa6: {  	v7 =	vld [tilespmem:s30+$0xFFFFFFC0]  }
0xa7: {  	v6 =	vld.idx.msk [tilespmem:v6+s4+$0x0], $0xffff  }
0xa8: {  	v8 =	vld.idx.msk [tilespmem:v5+s4+$0x0], $0xffff  }
0xa9: {  	v5 =	vld.idx.msk [tilespmem:v4+s4+$0x0], $0xffff  }
.Ltmp3:
0xaa: {  	v4 =	vld.idx.msk [tilespmem:v3+s4+$0x0], $0xffff;
	(pc) =	sbr.rel @p2 .LBB2_9-.Ltmp3, $4  }
0xab: {  	v3 =	vld.idx.msk [tilespmem:v1+s4+$0x0], $0xffff  }
0xac: {  	s29 =	sadd.s32 $0x80, s29;
	v1 =	vld.idx.msk [tilespmem:v0+s4+$0x0], $0xffff  }
0xad: {  	v0 =	vld.idx.msk [tilespmem:v2+s4+$0x0], $0xffff;
	[tilespmem:s29+$0x30] =	vst v6  }
0xae: {  	s30 =	sadd.s32 $0x80, s30;
	v2 =	vld.idx.msk [tilespmem:v7+s4+$0x0], $0xffff;
	[tilespmem:s29+$0xFFFFFFD0] =	vst v8  }
0xaf: {  	[tilespmem:s29+$0xFFFFFFE0] =	vst v5  }
0xb0: {  	[tilespmem:s29+$0xFFFFFFF0] =	vst v4;
	s28 =	sshll.u32 s25, $0x13  }
0xb1: {  	[tilespmem:s29+$0x0] =	vst v3;
	s28 =	sor.u32 s28, s9  }
0xb2: {  	[tilespmem:s29+$0x10] =	vst v1;
	s28 =	sor.u32 s6, s28  }
0xb3: {  	[tilespmem:s29+$0x20] =	vst v0;
	s28 =	sshrl.u32 s28, $0x3  }
0xb4: {  	s26 =	sadd.s32 @!p0 $0x3, s26;
	[tilespmem:s29+$0xFFFFFFC0] =	vst v2;
	s29 =	sadd.s32 s3, s28  }
0xb5: {  	[hbm4b:s29+s13] =	stream.strided.scatter [tilespmem:s19], [sflag:$0x3], $0x1000, s14, s13, $0x38;
	[tilespmem:$0x1C700] =	vst v63  }
0xb6: {  	s30 =	simm.s32 @!p0 $0x400;
	s31 =	simm.s32 @!p0 $0x19700;
	s29 =	sshll.u32 @!p0 s26, $0x4  }
0xb7: {  	s26 =	sshll.u32 @!p0 s26, $0x9;
	_ =	swait.ge [sflag:s20], $0x1000;
	s29 =	sand.u32 @!p0 $0x70, s29  }
0xb8: {  	s26 =	sand.u32 @!p0 $0xF000, s26;
	[sflag:s20] =	ssyncset.done $0x0;
	s29 =	sadd.s32 @!p0 s1, s29  }
0xb9: {  	[sflag:s20] =	ssyncadd.s32 $0xFFFFF000;
	s26 =	sadd.s32 @!p0 s26, s29;
	s29 =	simm.s32 @!p0 $0x80  }
0xba: {  	[tilespmem:s31], [sflag:$0x2] =	stream.strided.gather @!p0 [hbm4b:s26+s29], $0x1000, s30, s29, $0x38;
	[tilespmem:$0x1C700] =	vst v63  }
0xbb: {  	_ =	swait.ge @p1 [sflag:s23], $0x1000  }
0xbc: {  	[sflag:s23] =	ssyncset.done @p1 $0x0  }
0xbd: {  	s31 =	simm.s32 $0x19740;
	[sflag:s23] =	ssyncadd.s32 @p1 $0xFFFFF000  }
0xbe: {  	v0 =	vld [tilespmem:s31+$0x30]  }
0xbf: {  	v1 =	vld [tilespmem:s31+$0xFFFFFFD0]  }
0xc0: {  	v2 =	vld [tilespmem:s31+$0xFFFFFFE0]  }
0xc1: {  	v3 =	vld [tilespmem:s31+$0xFFFFFFF0]  }
0xc2: {  	v4 =	vld [tilespmem:s31+$0x0]  }
0xc3: {  	v6 =	vld [tilespmem:s31+$0x10]  }
0xc4: {  	v7 =	vld [tilespmem:s31+$0x20]  }
0xc5: {  	v8 =	vld [tilespmem:s31+$0xFFFFFFC0]  }
0xc6: {  	v9 =	vld.idx.msk [tilespmem:v0+s4+$0x0], $0xffff  }
0xc7: {  	v10 =	vld.idx.msk [tilespmem:v1+s4+$0x0], $0xffff  }
0xc8: {  	v5 =	vld.idx.msk [tilespmem:v2+s4+$0x0], $0xffff  }
0xc9: {  	v3 =	vld.idx.msk [tilespmem:v3+s4+$0x0], $0xffff  }
0xca: {  	v0 =	vld.idx.msk [tilespmem:v4+s4+$0x0], $0xffff  }
0xcb: {  	s26 =	simm.s32 $0x1B740;
	v1 =	vld.idx.msk [tilespmem:v6+s4+$0x0], $0xffff  }
0xcc: {  	v2 =	vld.idx.msk [tilespmem:v7+s4+$0x0], $0xffff;
	[tilespmem:s26+$0x30] =	vst v9  }
0xcd: {  	s29 =	simm.s32 $0x0;
	s30 =	simm.s32 $0x197C0;
	v4 =	vld.idx.msk [tilespmem:v8+s4+$0x0], $0xffff;
	[tilespmem:s26+$0xFFFFFFD0] =	vst v10  }
.LBB2_11:
0xce: {  	v6 =	vld [tilespmem:s30+$0x30];
	s29 =	sadd.s32 $0x8, s29;
	[tilespmem:s26+$0xFFFFFFE0] =	vst v5  }
0xcf: {  	v5 =	vld [tilespmem:s30+$0xFFFFFFD0];
	p0 =	slt.u32 s29, $0xF8;
	[tilespmem:s26+$0xFFFFFFF0] =	vst v3  }
0xd0: {  	v3 =	vld [tilespmem:s30+$0xFFFFFFE0];
	[tilespmem:s26+$0x0] =	vst v0  }
0xd1: {  	v0 =	vld [tilespmem:s30+$0xFFFFFFF0];
	[tilespmem:s26+$0x10] =	vst v1  }
0xd2: {  	v1 =	vld [tilespmem:s30+$0x0];
	[tilespmem:s26+$0x20] =	vst v2  }
0xd3: {  	v2 =	vld [tilespmem:s30+$0x10];
	[tilespmem:s26+$0xFFFFFFC0] =	vst v4  }
0xd4: {  	v4 =	vld [tilespmem:s30+$0x20]  }
0xd5: {  	v7 =	vld [tilespmem:s30+$0xFFFFFFC0]  }
0xd6: {  	v6 =	vld.idx.msk [tilespmem:v6+s4+$0x0], $0xffff  }
0xd7: {  	v8 =	vld.idx.msk [tilespmem:v5+s4+$0x0], $0xffff  }
0xd8: {  	v5 =	vld.idx.msk [tilespmem:v3+s4+$0x0], $0xffff  }
.Ltmp4:
0xd9: {  	v3 =	vld.idx.msk [tilespmem:v0+s4+$0x0], $0xffff;
	(pc) =	sbr.rel @p0 .LBB2_11-.Ltmp4, $4  }
0xda: {  	v0 =	vld.idx.msk [tilespmem:v1+s4+$0x0], $0xffff  }
0xdb: {  	s26 =	sadd.s32 $0x80, s26;
	v1 =	vld.idx.msk [tilespmem:v2+s4+$0x0], $0xffff  }
0xdc: {  	v2 =	vld.idx.msk [tilespmem:v4+s4+$0x0], $0xffff;
	[tilespmem:s26+$0x30] =	vst v6  }
0xdd: {  	s30 =	sadd.s32 $0x80, s30;
	v4 =	vld.idx.msk [tilespmem:v7+s4+$0x0], $0xffff;
	[tilespmem:s26+$0xFFFFFFD0] =	vst v8  }
0xde: {  	[tilespmem:s26+$0xFFFFFFE0] =	vst v5;
	s25 =	sadd.s32 $0x1, s25  }
0xdf: {  	[tilespmem:s26+$0xFFFFFFF0] =	vst v3;
	p0 =	sne.s32 s25, $0x19  }
.Ltmp5:
0xe0: {  	[tilespmem:s26+$0x0] =	vst v0;
	(pc) =	sbr.rel @p0 .LBB2_8-.Ltmp5, $4  }
0xe1: {  	[tilespmem:s26+$0x10] =	vst v1  }
0xe2: {  	[tilespmem:s26+$0x20] =	vst v2  }
0xe3: {  	s31 =	sadd.s32 s28, s10;
	[tilespmem:s26+$0xFFFFFFC0] =	vst v4  }
0xe4: {  	[hbm4b:s31+s13] =	stream.strided.scatter [tilespmem:s21], [sflag:$0x4], $0x1000, s14, s13, $0x38;
	[tilespmem:$0x1C700] =	vst v63  }
0xe5: {  	s24 =	sadd.s32 $0x1, s24  }
0xe6: {  	_ =	swait.ge [sflag:s22], $0x1000;
	p0 =	sne.s32 s24, s12  }
.Ltmp6:
0xe7: {  	[sflag:s22] =	ssyncset.done $0x0;
	(pc) =	sbr.rel @p0 .LBB2_1-.Ltmp6, $4  }
0xe8: {  	[sflag:s22] =	ssyncadd.s32 $0xFFFFF000  }
0xe9: {  	_ =	swait.ge [sflag:s23], $0x1000  }
0xea: {  	[sflag:s23] =	ssyncset.done $0x0  }
0xeb: {  	[sflag:s23] =	ssyncadd.s32 $0xFFFFF000  }
0xec: {  	_ =	sfence.sel $0x180000  }
0xed: {  	[bflag:$0x0] =	sbarrier.arrive $0xFFFF  }
0xee: {  	p0 =	sne.s32 s2, $0x0;
	_ =	strace $0x90000047  }
0xef: {  	s0 =	sadd.s32 @!p0 $0x100000, s0;
	[bflag:$0x2] =	sbarrier.arrive $0xFFFF  }
0xf0: {  	[sflag:s0] =	ssyncadd.tile.s32 @!p0 $0x1;
	_ =	shalt  }
.Lfunc_end2:
_tile_overlayer_lowered:
.L_overlay_start_2:
0xf1: {  	(tag) =	ssettag $0x2  }
0xf2: {  	s0 =	rddreg [dreg:$0x0];
	s2 =	stileid.u32  }
0xf3: {  	s1 =	rddreg [dreg:$0x1];
	p0 =	sne.s32 s2, $0x0  }
0xf4: {  	s3 =	rddreg [dreg:$0x2];
	[bflag:$0x3] =	sbarrier.arrive $0xFFFF;
	s2 =	simm.s32 @!p0 $0x1C05  }
0xf5: {  	[timem:s3], [sflag:s2] =	dma.local @!p0 [hbm:s0], s1  }
0xf6: {  	s0 =	simm.s32 @!p0 $0x5  }
0xf7: {  	_ =	swait.ge @!p0 [sflag:s0], s1  }
0xf8: {  	s1 =	ssub.s32 @!p0 $0x0, s1;
	[sflag:s0] =	ssyncset.done @!p0 $0x0  }
0xf9: {  	[sflag:s0] =	ssyncadd.s32 @!p0 s1  }
0xfa: {  	[bflag:$0x3] =	sbarrier.arrive $0xFFFF  }
0xfb: {  	_ =	shalt  }

</sc_bundles>
